<compile_context>
chip_gen: v7x
topology: tpu7x:2x2x1
jax: 0.10.2.dev20260603
libtpu: 0.0.44.dev20260713+nightly
codegen_flags: <defaults>
</compile_context>

<pallas_src>
import functools

import jax
import jax.numpy as jnp
from jax.experimental import pallas as pl
from jax.experimental.pallas import tpu as pltpu

NSAMPLE = 16
LEAKY = 0.1
TILE_N = 128


def _leaky(v):
    return jnp.where(v >= 0, v, LEAKY * v)


def _mlp_block(feat_ref, w0t_ref, w1t_ref, wn0t_ref, wnb_ref, wlin2t_ref, out_ref):
    rows = feat_ref[0]
    R = rows.shape[0]
    z0 = _leaky(jax.lax.dot(rows, w0t_ref[...],
                            preferred_element_type=jnp.float32))
    z1 = _leaky(jax.lax.dot(z0, w1t_ref[...],
                            preferred_element_type=jnp.float32))
    d = rows[:, 128:131]
    w0 = jax.nn.relu(jax.lax.dot(d, wn0t_ref[...][0:3, 0:8],
                                 preferred_element_type=jnp.float32)
                     + wnb_ref[...][0:1, 0:8])
    w1 = jax.nn.relu(jax.lax.dot(w0, wn0t_ref[...][8:16, 0:8],
                                 preferred_element_type=jnp.float32)
                     + wnb_ref[...][1:2, 0:8])
    w2 = jax.nn.relu(jax.lax.dot(w1, wn0t_ref[...][16:24, 0:8],
                                 preferred_element_type=jnp.float32)
                     + wnb_ref[...][2:3, 0:8])

    w2t = w2.T
    sub_i = jax.lax.broadcasted_iota(jnp.int32, (128, 256), 0)
    lane_i = jax.lax.broadcasted_iota(jnp.int32, (128, 256), 1)
    bd_mask = (sub_i // 8) == (lane_i // 16)
    n_groups = R // 256
    s_parts = []
    for g in range(n_groups):
        wg = w2t[:, g * 256:(g + 1) * 256]
        wg_tiled = jnp.concatenate([wg] * 16, axis=0)
        lhs = jnp.where(bd_mask, wg_tiled, 0.0)
        s_parts.append(jax.lax.dot(lhs, z1[g * 256:(g + 1) * 256, :],
                                   preferred_element_type=jnp.float32))
    s_all = jnp.concatenate(s_parts, axis=0)
    s_r = s_all.reshape(R // 16, 1024)
    out = _leaky(jax.lax.dot(s_r, wlin2t_ref[...],
                             preferred_element_type=jnp.float32))
    out_ref[0] = out.T


def _fused_mlp(feat, w0t, w1t, wn0t, wnb, wlin2t, B, N1):
    K = NSAMPLE
    grid = (B, N1 // TILE_N)
    return pl.pallas_call(
        _mlp_block,
        grid=grid,
        in_specs=[
            pl.BlockSpec((1, TILE_N * K, feat.shape[-1]),
                         lambda b, n: (b, n, 0)),
            pl.BlockSpec((feat.shape[-1], 128), lambda b, n: (0, 0)),
            pl.BlockSpec((128, 128), lambda b, n: (0, 0)),
            pl.BlockSpec((24, 8), lambda b, n: (0, 0)),
            pl.BlockSpec((3, 8), lambda b, n: (0, 0)),
            pl.BlockSpec((1024, 128), lambda b, n: (0, 0)),
        ],
        out_specs=pl.BlockSpec((1, 128, TILE_N), lambda b, n: (b, 0, n)),
        out_shape=jax.ShapeDtypeStruct((B, 128, N1), jnp.float32),
    )(feat, w0t, w1t, wn0t, wnb, wlin2t)


def kernel(xyz1, xyz2, points2, W0, W1, wn_w0, wn_b0, wn_w1, wn_b1, wn_w2,
           wn_b2, W_lin):
    B, _, N1 = xyz1.shape
    N2 = xyz2.shape[2]
    C = points2.shape[1]
    K = NSAMPLE

    x1 = jnp.transpose(xyz1, (0, 2, 1))
    x2 = jnp.transpose(xyz2, (0, 2, 1))
    p2 = jnp.transpose(points2, (0, 2, 1))

    sqr = -2.0 * jnp.einsum('bnc,bmc->bnm', x1, x2)
    sqr = sqr + jnp.sum(x1 ** 2, axis=-1)[:, :, None]
    sqr = sqr + jnp.sum(x2 ** 2, axis=-1)[:, None, :]
    _, knn_idx = jax.lax.top_k(-sqr, K)

    gather = jax.vmap(lambda pts, ind: pts[ind])
    neighbor_xyz = gather(x2, knn_idx)
    direction_xyz = neighbor_xyz - x1[:, :, None, :]
    grouped_points2 = gather(p2, knn_idx)
    feat = jnp.concatenate([grouped_points2, direction_xyz], axis=-1)
    feat = feat.reshape(B, N1 * K, C + 3)

    w0t = W0.T
    w1t = W1.T
    wn0t = jnp.concatenate([
        jnp.pad(wn_w0.T, ((0, 5), (0, 0))),
        wn_w1.T, wn_w2.T], axis=0)
    wnb = jnp.stack([wn_b0, wn_b1, wn_b2], axis=0)
    wlin2t = W_lin.reshape(128, 128, 8).transpose(2, 1, 0).reshape(1024, 128)

    return _fused_mlp(feat, w0t, w1t, wn0t, wnb, wlin2t, B, N1)

# --- scband reference (transcript-rebuilt; emitter-appended) ---
"""Pipeline reference for scband-point-conv-centroid-42073499631903 (READ-ONLY COPY).

The authoritative reference and input builder live on the scoring server;
editing this copy changes nothing except your own understanding.
"""

import jax, jax.numpy as jnp
import numpy as np

NSAMPLE = 16
IN_CHANNEL = 128
MLP = [128, 128]
LEAKY = 0.1


def setup_inputs(seed: int = 0) -> dict:
    key = jax.random.key(seed)
    ks = jax.random.split(key, 16)
    B, N1, N2, C = 16, 512, 8192, IN_CHANNEL
    xyz1 = jax.random.normal(ks[0], (B, 3, N1), dtype=jnp.float32)
    xyz2 = jax.random.normal(ks[1], (B, 3, N2), dtype=jnp.float32)
    points2 = jax.random.normal(ks[2], (B, C, N2), dtype=jnp.float32)
    # mlp conv weights (Conv2d 1x1, bias=False): in = C+3 -> 128 -> 128
    W0 = jax.random.normal(ks[3], (MLP[0], C + 3), dtype=jnp.float32) * 0.05
    W1 = jax.random.normal(ks[4], (MLP[1], MLP[0]), dtype=jnp.float32) * 0.05
    # WeightNet(3, 8, hidden=[8,8]): three Conv2d 1x1 with bias
    wn_w0 = jax.random.normal(ks[5], (8, 3), dtype=jnp.float32) * 0.3
    wn_b0 = jax.random.normal(ks[6], (8,), dtype=jnp.float32) * 0.05
    wn_w1 = jax.random.normal(ks[7], (8, 8), dtype=jnp.float32) * 0.3
    wn_b1 = jax.random.normal(ks[8], (8,), dtype=jnp.float32) * 0.05
    wn_w2 = jax.random.normal(ks[9], (8, 8), dtype=jnp.float32) * 0.3
    wn_b2 = jax.random.normal(ks[10], (8,), dtype=jnp.float32) * 0.05
    # linear: Conv1d(8*last_channel, last_channel, 1, bias=False)
    W_lin = jax.random.normal(ks[11], (MLP[-1], 8 * MLP[-1]), dtype=jnp.float32) * 0.05
    return {"xyz1": xyz1, "xyz2": xyz2, "points2": points2,
            "W0": W0, "W1": W1,
            "wn_w0": wn_w0, "wn_b0": wn_b0, "wn_w1": wn_w1, "wn_b1": wn_b1,
            "wn_w2": wn_w2, "wn_b2": wn_b2, "W_lin": W_lin}


def _leaky(v):
    return jnp.where(v >= 0, v, LEAKY * v)


def reference(xyz1, xyz2, points2, W0, W1, wn_w0, wn_b0, wn_w1, wn_b1, wn_w2, wn_b2, W_lin):
    B = xyz1.shape[0]
    x1 = jnp.transpose(xyz1, (0, 2, 1))   # [B, N1, 3]
    x2 = jnp.transpose(xyz2, (0, 2, 1))   # [B, N2, 3]
    p2 = jnp.transpose(points2, (0, 2, 1))  # [B, N2, C]
    N1 = x1.shape[1]
    # square distances [B, N1, N2]
    sqr = -2.0 * jnp.einsum('bnc,bmc->bnm', x1, x2)
    sqr = sqr + jnp.sum(x1 ** 2, axis=-1)[:, :, None]
    sqr = sqr + jnp.sum(x2 ** 2, axis=-1)[:, None, :]
    # kNN: smallest nsample distances
    _, knn_idx = jax.lax.top_k(-sqr, NSAMPLE)  # [B, N1, K]
    gather = jax.vmap(lambda pts, ind: pts[ind])  # pts [N2, C], ind [N1, K]
    neighbor_xyz = gather(x2, knn_idx)            # [B, N1, K, 3]
    direction_xyz = neighbor_xyz - x1[:, :, None, :]
    grouped_points2 = gather(p2, knn_idx)         # [B, N1, K, C]
    new_points = jnp.concatenate([grouped_points2, direction_xyz], axis=-1)  # [B, N1, K, C+3]
    # mlp convs (1x1 conv == channel-wise linear), leaky relu
    new_points = _leaky(new_points @ W0.T)
    new_points = _leaky(new_points @ W1.T)        # [B, N1, K, Cout]
    # WeightNet on direction_xyz with plain relu
    w = jax.nn.relu(direction_xyz @ wn_w0.T + wn_b0)
    w = jax.nn.relu(w @ wn_w1.T + wn_b1)
    w = jax.nn.relu(w @ wn_w2.T + wn_b2)          # [B, N1, K, 8]
    # matmul over K: [B, N1, Cout, K] x [B, N1, K, 8] -> [B, N1, Cout, 8]
    out = jnp.einsum('bnkc,bnkw->bncw', new_points, w)
    out = out.reshape(B, N1, -1)                  # [B, N1, Cout*8] (c-major like torch view)
    out = out @ W_lin.T                           # [B, N1, Cout]
    out = _leaky(out)
    return jnp.transpose(out, (0, 2, 1))          # [B, Cout, N1]

if __name__ == "__main__":
    import jax
    _d = setup_inputs()
    print(jax.jit(kernel)(*tuple(_d.values())))

</pallas_src>

<mosaic_0001>
module attributes {stable_mosaic.version = 14 : i64} {
  func.func @_mlp_block(%arg0: i32, %arg1: i32, %arg2: memref<1x2048x131xf32, #tpu.memory_space<vmem>>, %arg3: memref<131x128xf32, #tpu.memory_space<vmem>>, %arg4: memref<128x128xf32, #tpu.memory_space<vmem>>, %arg5: memref<24x8xf32, #tpu.memory_space<vmem>>, %arg6: memref<3x8xf32, #tpu.memory_space<vmem>>, %arg7: memref<1024x128xf32, #tpu.memory_space<vmem>>, %arg8: memref<1x128x128xf32, #tpu.memory_space<vmem>>) attributes {dimension_semantics = [#tpu.dimension_semantics<arbitrary>, #tpu.dimension_semantics<arbitrary>], iteration_bounds = array<i64: 16, 4>, scalar_prefetch = 0 : i64, scratch_operands = 0 : i64, tpu.core_type = #tpu.core_type<tc>, window_params = [{transform_indices = @transform_0, window_bounds = array<i64: 1, 2048, 131>}, {pipeline_mode = #tpu.pipeline_mode<synchronous>, transform_indices = @transform_1, window_bounds = array<i64: 131, 128>}, {pipeline_mode = #tpu.pipeline_mode<synchronous>, transform_indices = @transform_2, window_bounds = array<i64: 128, 128>}, {pipeline_mode = #tpu.pipeline_mode<synchronous>, transform_indices = @transform_3, window_bounds = array<i64: 24, 8>}, {pipeline_mode = #tpu.pipeline_mode<synchronous>, transform_indices = @transform_4, window_bounds = array<i64: 3, 8>}, {pipeline_mode = #tpu.pipeline_mode<synchronous>, transform_indices = @transform_5, window_bounds = array<i64: 1024, 128>}, {transform_indices = @transform_6, window_bounds = array<i64: 1, 128, 128>}]} {
    %get3A = arith.constant 0 : index
    %get3A_0 = arith.constant 0 : index
    %get3A_1 = arith.constant 0 : index
    %get3A_2 = vector.load %arg2[%get3A, %get3A_0, %get3A_1] : memref<1x2048x131xf32, #tpu.memory_space<vmem>>, vector<1x2048x131xf32>
    %get3A_3 = vector.shape_cast %get3A_2 : vector<1x2048x131xf32> to vector<2048x131xf32>
    %get3A_4 = arith.constant 0 : index
    %get3A_5 = arith.constant 0 : index
    %get3A_6 = vector.load %arg3[%get3A_4, %get3A_5] : memref<131x128xf32, #tpu.memory_space<vmem>>, vector<131x128xf32>
    %dot_general3A = arith.constant dense<0.000000e+00> : vector<2048x128xf32>
    %dot_general3A_7 = tpu.matmul %get3A_3, %get3A_6, %dot_general3A {dimension_numbers = #tpu.dot_dimension_numbers<[1], [0], [0], [1], [0, 0, 1, 1], [], []>, transpose_lhs_hint = false} : vector<2048x131xf32>, vector<131x128xf32>, vector<2048x128xf32> -> vector<2048x128xf32>
    %ge3A = arith.constant 0.000000e+00 : f32
    %ge3A_8 = vector.broadcast %ge3A : f32 to vector<2048x128xf32>
    %ge3A_9 = arith.cmpf oge, %dot_general3A_7, %ge3A_8 : vector<2048x128xf32>
    %mul3A = arith.constant 1.000000e-01 : f32
    %mul3A_10 = vector.broadcast %mul3A : f32 to vector<2048x128xf32>
    %mul3A_11 = arith.mulf %mul3A_10, %dot_general3A_7 : vector<2048x128xf32>
    %select_n3A = arith.select %ge3A_9, %dot_general3A_7, %mul3A_11 : vector<2048x128xi1>, vector<2048x128xf32>
    %get3A_12 = arith.constant 0 : index
    %get3A_13 = arith.constant 0 : index
    %get3A_14 = vector.load %arg4[%get3A_12, %get3A_13] : memref<128x128xf32, #tpu.memory_space<vmem>>, vector<128x128xf32>
    %dot_general3A_15 = arith.constant dense<0.000000e+00> : vector<2048x128xf32>
    %dot_general3A_16 = tpu.matmul %select_n3A, %get3A_14, %dot_general3A_15 {dimension_numbers = #tpu.dot_dimension_numbers<[1], [0], [0], [1], [0, 0, 1, 1], [], []>, transpose_lhs_hint = false} : vector<2048x128xf32>, vector<128x128xf32>, vector<2048x128xf32> -> vector<2048x128xf32>
    %ge3A_17 = arith.constant 0.000000e+00 : f32
    %ge3A_18 = vector.broadcast %ge3A_17 : f32 to vector<2048x128xf32>
    %ge3A_19 = arith.cmpf oge, %dot_general3A_16, %ge3A_18 : vector<2048x128xf32>
    %mul3A_20 = arith.constant 1.000000e-01 : f32
    %mul3A_21 = vector.broadcast %mul3A_20 : f32 to vector<2048x128xf32>
    %mul3A_22 = arith.mulf %mul3A_21, %dot_general3A_16 : vector<2048x128xf32>
    %select_n3A_23 = arith.select %ge3A_19, %dot_general3A_16, %mul3A_22 : vector<2048x128xi1>, vector<2048x128xf32>
    %slice3A = vector.extract_strided_slice %get3A_3 {offsets = [0, 128], sizes = [2048, 3], strides = [1, 1]} : vector<2048x131xf32> to vector<2048x3xf32>
    %get3A_24 = arith.constant 0 : index
    %get3A_25 = arith.constant 0 : index
    %get3A_26 = vector.load %arg5[%get3A_24, %get3A_25] : memref<24x8xf32, #tpu.memory_space<vmem>>, vector<24x8xf32>
    %slice3A_27 = vector.extract_strided_slice %get3A_26 {offsets = [0, 0], sizes = [3, 8], strides = [1, 1]} : vector<24x8xf32> to vector<3x8xf32>
    %dot_general3A_28 = arith.constant dense<0.000000e+00> : vector<2048x8xf32>
    %dot_general3A_29 = tpu.matmul %slice3A, %slice3A_27, %dot_general3A_28 {dimension_numbers = #tpu.dot_dimension_numbers<[1], [0], [0], [1], [0, 0, 1, 1], [], []>, transpose_lhs_hint = false} : vector<2048x3xf32>, vector<3x8xf32>, vector<2048x8xf32> -> vector<2048x8xf32>
    %get3A_30 = arith.constant 0 : index
    %get3A_31 = arith.constant 0 : index
    %get3A_32 = vector.load %arg6[%get3A_30, %get3A_31] : memref<3x8xf32, #tpu.memory_space<vmem>>, vector<3x8xf32>
    %slice3A_33 = vector.extract_strided_slice %get3A_32 {offsets = [0, 0], sizes = [1, 8], strides = [1, 1]} : vector<3x8xf32> to vector<1x8xf32>
    %add3A = vector.broadcast %slice3A_33 : vector<1x8xf32> to vector<2048x8xf32>
    %add3A_34 = arith.addf %dot_general3A_29, %add3A : vector<2048x8xf32>
    %max3A = arith.constant 0.000000e+00 : f32
    %max3A_35 = vector.broadcast %max3A : f32 to vector<2048x8xf32>
    %max3A_36 = arith.maximumf %add3A_34, %max3A_35 : vector<2048x8xf32>
    %get3A_37 = arith.constant 0 : index
    %get3A_38 = arith.constant 0 : index
    %get3A_39 = vector.load %arg5[%get3A_37, %get3A_38] : memref<24x8xf32, #tpu.memory_space<vmem>>, vector<24x8xf32>
    %slice3A_40 = vector.extract_strided_slice %get3A_39 {offsets = [8, 0], sizes = [8, 8], strides = [1, 1]} : vector<24x8xf32> to vector<8x8xf32>
    %dot_general3A_41 = arith.constant dense<0.000000e+00> : vector<2048x8xf32>
    %dot_general3A_42 = tpu.matmul %max3A_36, %slice3A_40, %dot_general3A_41 {dimension_numbers = #tpu.dot_dimension_numbers<[1], [0], [0], [1], [0, 0, 1, 1], [], []>, transpose_lhs_hint = false} : vector<2048x8xf32>, vector<8x8xf32>, vector<2048x8xf32> -> vector<2048x8xf32>
    %get3A_43 = arith.constant 0 : index
    %get3A_44 = arith.constant 0 : index
    %get3A_45 = vector.load %arg6[%get3A_43, %get3A_44] : memref<3x8xf32, #tpu.memory_space<vmem>>, vector<3x8xf32>
    %slice3A_46 = vector.extract_strided_slice %get3A_45 {offsets = [1, 0], sizes = [1, 8], strides = [1, 1]} : vector<3x8xf32> to vector<1x8xf32>
    %add3A_47 = vector.broadcast %slice3A_46 : vector<1x8xf32> to vector<2048x8xf32>
    %add3A_48 = arith.addf %dot_general3A_42, %add3A_47 : vector<2048x8xf32>
    %max3A_49 = arith.constant 0.000000e+00 : f32
    %max3A_50 = vector.broadcast %max3A_49 : f32 to vector<2048x8xf32>
    %max3A_51 = arith.maximumf %add3A_48, %max3A_50 : vector<2048x8xf32>
    %get3A_52 = arith.constant 0 : index
    %get3A_53 = arith.constant 0 : index
    %get3A_54 = vector.load %arg5[%get3A_52, %get3A_53] : memref<24x8xf32, #tpu.memory_space<vmem>>, vector<24x8xf32>
    %slice3A_55 = vector.extract_strided_slice %get3A_54 {offsets = [16, 0], sizes = [8, 8], strides = [1, 1]} : vector<24x8xf32> to vector<8x8xf32>
    %dot_general3A_56 = arith.constant dense<0.000000e+00> : vector<2048x8xf32>
    %dot_general3A_57 = tpu.matmul %max3A_51, %slice3A_55, %dot_general3A_56 {dimension_numbers = #tpu.dot_dimension_numbers<[1], [0], [0], [1], [0, 0, 1, 1], [], []>, transpose_lhs_hint = false} : vector<2048x8xf32>, vector<8x8xf32>, vector<2048x8xf32> -> vector<2048x8xf32>
    %get3A_58 = arith.constant 0 : index
    %get3A_59 = arith.constant 0 : index
    %get3A_60 = vector.load %arg6[%get3A_58, %get3A_59] : memref<3x8xf32, #tpu.memory_space<vmem>>, vector<3x8xf32>
    %slice3A_61 = vector.extract_strided_slice %get3A_60 {offsets = [2, 0], sizes = [1, 8], strides = [1, 1]} : vector<3x8xf32> to vector<1x8xf32>
    %add3A_62 = vector.broadcast %slice3A_61 : vector<1x8xf32> to vector<2048x8xf32>
    %add3A_63 = arith.addf %dot_general3A_57, %add3A_62 : vector<2048x8xf32>
    %max3A_64 = arith.constant 0.000000e+00 : f32
    %max3A_65 = vector.broadcast %max3A_64 : f32 to vector<2048x8xf32>
    %max3A_66 = arith.maximumf %add3A_63, %max3A_65 : vector<2048x8xf32>
    %transpose3A = tpu.transpose %max3A_66, [1, 0] : vector<2048x8xf32> -> vector<8x2048xf32>
    %iota3A = tpu.iota {dimensions = array<i32: 0>} : vector<128x256xi32>
    %iota3A_67 = tpu.iota {dimensions = array<i32: 1>} : vector<128x256xi32>
    %jit3A = arith.constant 8 : i32
    %div3A = vector.broadcast %jit3A : i32 to vector<128x256xi32>
    %div3A_68 = arith.divsi %iota3A, %div3A : vector<128x256xi32>
    %sign3A = arith.constant 0 : i32
    %sign3A_69 = vector.broadcast %sign3A : i32 to vector<128x256xi32>
    %sign3A_70 = arith.cmpi sgt, %iota3A, %sign3A_69 : vector<128x256xi32>
    %sign3A_71 = arith.extui %sign3A_70 : vector<128x256xi1> to vector<128x256xi32>
    %sign3A_72 = arith.constant 0 : i32
    %sign3A_73 = vector.broadcast %sign3A_72 : i32 to vector<128x256xi32>
    %sign3A_74 = arith.cmpi slt, %iota3A, %sign3A_73 : vector<128x256xi32>
    %sign3A_75 = arith.extui %sign3A_74 : vector<128x256xi1> to vector<128x256xi32>
    %sign3A_76 = arith.subi %sign3A_71, %sign3A_75 : vector<128x256xi32>
    %sign3A_77 = arith.constant 0 : i32
    %sign3A_78 = arith.cmpi sgt, %jit3A, %sign3A_77 : i32
    %sign3A_79 = arith.extui %sign3A_78 : i1 to i32
    %sign3A_80 = arith.constant 0 : i32
    %sign3A_81 = arith.cmpi slt, %jit3A, %sign3A_80 : i32
    %sign3A_82 = arith.extui %sign3A_81 : i1 to i32
    %sign3A_83 = arith.subi %sign3A_79, %sign3A_82 : i32
    %ne3A = vector.broadcast %sign3A_83 : i32 to vector<128x256xi32>
    %ne3A_84 = arith.cmpi ne, %sign3A_76, %ne3A : vector<128x256xi32>
    %rem3A = vector.broadcast %jit3A : i32 to vector<128x256xi32>
    %rem3A_85 = arith.remsi %iota3A, %rem3A : vector<128x256xi32>
    %ne3A_86 = arith.constant 0 : i32
    %ne3A_87 = vector.broadcast %ne3A_86 : i32 to vector<128x256xi32>
    %ne3A_88 = arith.cmpi ne, %rem3A_85, %ne3A_87 : vector<128x256xi32>
    %and3A = arith.andi %ne3A_84, %ne3A_88 : vector<128x256xi1>
    %sub3A = arith.constant 1 : i32
    %sub3A_89 = vector.broadcast %sub3A : i32 to vector<128x256xi32>
    %sub3A_90 = arith.subi %div3A_68, %sub3A_89 : vector<128x256xi32>
    %select_n3A_91 = arith.select %and3A, %sub3A_90, %div3A_68 : vector<128x256xi1>, vector<128x256xi32>
    %jit3A_92 = arith.constant 16 : i32
    %div3A_93 = vector.broadcast %jit3A_92 : i32 to vector<128x256xi32>
    %div3A_94 = arith.divsi %iota3A_67, %div3A_93 : vector<128x256xi32>
    %sign3A_95 = arith.constant 0 : i32
    %sign3A_96 = vector.broadcast %sign3A_95 : i32 to vector<128x256xi32>
    %sign3A_97 = arith.cmpi sgt, %iota3A_67, %sign3A_96 : vector<128x256xi32>
    %sign3A_98 = arith.extui %sign3A_97 : vector<128x256xi1> to vector<128x256xi32>
    %sign3A_99 = arith.constant 0 : i32
    %sign3A_100 = vector.broadcast %sign3A_99 : i32 to vector<128x256xi32>
    %sign3A_101 = arith.cmpi slt, %iota3A_67, %sign3A_100 : vector<128x256xi32>
    %sign3A_102 = arith.extui %sign3A_101 : vector<128x256xi1> to vector<128x256xi32>
    %sign3A_103 = arith.subi %sign3A_98, %sign3A_102 : vector<128x256xi32>
    %sign3A_104 = arith.constant 0 : i32
    %sign3A_105 = arith.cmpi sgt, %jit3A_92, %sign3A_104 : i32
    %sign3A_106 = arith.extui %sign3A_105 : i1 to i32
    %sign3A_107 = arith.constant 0 : i32
    %sign3A_108 = arith.cmpi slt, %jit3A_92, %sign3A_107 : i32
    %sign3A_109 = arith.extui %sign3A_108 : i1 to i32
    %sign3A_110 = arith.subi %sign3A_106, %sign3A_109 : i32
    %ne3A_111 = vector.broadcast %sign3A_110 : i32 to vector<128x256xi32>
    %ne3A_112 = arith.cmpi ne, %sign3A_103, %ne3A_111 : vector<128x256xi32>
    %rem3A_113 = vector.broadcast %jit3A_92 : i32 to vector<128x256xi32>
    %rem3A_114 = arith.remsi %iota3A_67, %rem3A_113 : vector<128x256xi32>
    %ne3A_115 = arith.constant 0 : i32
    %ne3A_116 = vector.broadcast %ne3A_115 : i32 to vector<128x256xi32>
    %ne3A_117 = arith.cmpi ne, %rem3A_114, %ne3A_116 : vector<128x256xi32>
    %and3A_118 = arith.andi %ne3A_112, %ne3A_117 : vector<128x256xi1>
    %sub3A_119 = arith.constant 1 : i32
    %sub3A_120 = vector.broadcast %sub3A_119 : i32 to vector<128x256xi32>
    %sub3A_121 = arith.subi %div3A_94, %sub3A_120 : vector<128x256xi32>
    %select_n3A_122 = arith.select %and3A_118, %sub3A_121, %div3A_94 : vector<128x256xi1>, vector<128x256xi32>
    %eq3A = arith.cmpi eq, %select_n3A_91, %select_n3A_122 : vector<128x256xi32>
    %slice3A_123 = vector.extract_strided_slice %transpose3A {offsets = [0, 0], sizes = [8, 256], strides = [1, 1]} : vector<8x2048xf32> to vector<8x256xf32>
    %concatenate3A = tpu.concatenate %slice3A_123, %slice3A_123, %slice3A_123, %slice3A_123, %slice3A_123, %slice3A_123, %slice3A_123, %slice3A_123, %slice3A_123, %slice3A_123, %slice3A_123, %slice3A_123, %slice3A_123, %slice3A_123, %slice3A_123, %slice3A_123 in 0 : vector<8x256xf32>, vector<8x256xf32>, vector<8x256xf32>, vector<8x256xf32>, vector<8x256xf32>, vector<8x256xf32>, vector<8x256xf32>, vector<8x256xf32>, vector<8x256xf32>, vector<8x256xf32>, vector<8x256xf32>, vector<8x256xf32>, vector<8x256xf32>, vector<8x256xf32>, vector<8x256xf32>, vector<8x256xf32> -> vector<128x256xf32>
    %jit3A_124 = arith.constant 0.000000e+00 : f32
    %broadcast_in_dim3A = vector.broadcast %jit3A_124 : f32 to vector<128x256xf32>
    %select_n3A_125 = arith.select %eq3A, %concatenate3A, %broadcast_in_dim3A : vector<128x256xi1>, vector<128x256xf32>
    %slice3A_126 = vector.extract_strided_slice %select_n3A_23 {offsets = [0, 0], sizes = [256, 128], strides = [1, 1]} : vector<2048x128xf32> to vector<256x128xf32>
    %dot_general3A_127 = arith.constant dense<0.000000e+00> : vector<128x128xf32>
    %dot_general3A_128 = tpu.matmul %select_n3A_125, %slice3A_126, %dot_general3A_127 {dimension_numbers = #tpu.dot_dimension_numbers<[1], [0], [0], [1], [0, 0, 1, 1], [], []>, transpose_lhs_hint = false} : vector<128x256xf32>, vector<256x128xf32>, vector<128x128xf32> -> vector<128x128xf32>
    %slice3A_129 = vector.extract_strided_slice %transpose3A {offsets = [0, 256], sizes = [8, 256], strides = [1, 1]} : vector<8x2048xf32> to vector<8x256xf32>
    %concatenate3A_130 = tpu.concatenate %slice3A_129, %slice3A_129, %slice3A_129, %slice3A_129, %slice3A_129, %slice3A_129, %slice3A_129, %slice3A_129, %slice3A_129, %slice3A_129, %slice3A_129, %slice3A_129, %slice3A_129, %slice3A_129, %slice3A_129, %slice3A_129 in 0 : vector<8x256xf32>, vector<8x256xf32>, vector<8x256xf32>, vector<8x256xf32>, vector<8x256xf32>, vector<8x256xf32>, vector<8x256xf32>, vector<8x256xf32>, vector<8x256xf32>, vector<8x256xf32>, vector<8x256xf32>, vector<8x256xf32>, vector<8x256xf32>, vector<8x256xf32>, vector<8x256xf32>, vector<8x256xf32> -> vector<128x256xf32>
    %jit3A_131 = arith.constant 0.000000e+00 : f32
    %broadcast_in_dim3A_132 = vector.broadcast %jit3A_131 : f32 to vector<128x256xf32>
    %select_n3A_133 = arith.select %eq3A, %concatenate3A_130, %broadcast_in_dim3A_132 : vector<128x256xi1>, vector<128x256xf32>
    %slice3A_134 = vector.extract_strided_slice %select_n3A_23 {offsets = [256, 0], sizes = [256, 128], strides = [1, 1]} : vector<2048x128xf32> to vector<256x128xf32>
    %dot_general3A_135 = arith.constant dense<0.000000e+00> : vector<128x128xf32>
    %dot_general3A_136 = tpu.matmul %select_n3A_133, %slice3A_134, %dot_general3A_135 {dimension_numbers = #tpu.dot_dimension_numbers<[1], [0], [0], [1], [0, 0, 1, 1], [], []>, transpose_lhs_hint = false} : vector<128x256xf32>, vector<256x128xf32>, vector<128x128xf32> -> vector<128x128xf32>
    %slice3A_137 = vector.extract_strided_slice %transpose3A {offsets = [0, 512], sizes = [8, 256], strides = [1, 1]} : vector<8x2048xf32> to vector<8x256xf32>
    %concatenate3A_138 = tpu.concatenate %slice3A_137, %slice3A_137, %slice3A_137, %slice3A_137, %slice3A_137, %slice3A_137, %slice3A_137, %slice3A_137, %slice3A_137, %slice3A_137, %slice3A_137, %slice3A_137, %slice3A_137, %slice3A_137, %slice3A_137, %slice3A_137 in 0 : vector<8x256xf32>, vector<8x256xf32>, vector<8x256xf32>, vector<8x256xf32>, vector<8x256xf32>, vector<8x256xf32>, vector<8x256xf32>, vector<8x256xf32>, vector<8x256xf32>, vector<8x256xf32>, vector<8x256xf32>, vector<8x256xf32>, vector<8x256xf32>, vector<8x256xf32>, vector<8x256xf32>, vector<8x256xf32> -> vector<128x256xf32>
    %jit3A_139 = arith.constant 0.000000e+00 : f32
    %broadcast_in_dim3A_140 = vector.broadcast %jit3A_139 : f32 to vector<128x256xf32>
    %select_n3A_141 = arith.select %eq3A, %concatenate3A_138, %broadcast_in_dim3A_140 : vector<128x256xi1>, vector<128x256xf32>
    %slice3A_142 = vector.extract_strided_slice %select_n3A_23 {offsets = [512, 0], sizes = [256, 128], strides = [1, 1]} : vector<2048x128xf32> to vector<256x128xf32>
    %dot_general3A_143 = arith.constant dense<0.000000e+00> : vector<128x128xf32>
    %dot_general3A_144 = tpu.matmul %select_n3A_141, %slice3A_142, %dot_general3A_143 {dimension_numbers = #tpu.dot_dimension_numbers<[1], [0], [0], [1], [0, 0, 1, 1], [], []>, transpose_lhs_hint = false} : vector<128x256xf32>, vector<256x128xf32>, vector<128x128xf32> -> vector<128x128xf32>
    %slice3A_145 = vector.extract_strided_slice %transpose3A {offsets = [0, 768], sizes = [8, 256], strides = [1, 1]} : vector<8x2048xf32> to vector<8x256xf32>
    %concatenate3A_146 = tpu.concatenate %slice3A_145, %slice3A_145, %slice3A_145, %slice3A_145, %slice3A_145, %slice3A_145, %slice3A_145, %slice3A_145, %slice3A_145, %slice3A_145, %slice3A_145, %slice3A_145, %slice3A_145, %slice3A_145, %slice3A_145, %slice3A_145 in 0 : vector<8x256xf32>, vector<8x256xf32>, vector<8x256xf32>, vector<8x256xf32>, vector<8x256xf32>, vector<8x256xf32>, vector<8x256xf32>, vector<8x256xf32>, vector<8x256xf32>, vector<8x256xf32>, vector<8x256xf32>, vector<8x256xf32>, vector<8x256xf32>, vector<8x256xf32>, vector<8x256xf32>, vector<8x256xf32> -> vector<128x256xf32>
    %jit3A_147 = arith.constant 0.000000e+00 : f32
    %broadcast_in_dim3A_148 = vector.broadcast %jit3A_147 : f32 to vector<128x256xf32>
    %select_n3A_149 = arith.select %eq3A, %concatenate3A_146, %broadcast_in_dim3A_148 : vector<128x256xi1>, vector<128x256xf32>
    %slice3A_150 = vector.extract_strided_slice %select_n3A_23 {offsets = [768, 0], sizes = [256, 128], strides = [1, 1]} : vector<2048x128xf32> to vector<256x128xf32>
    %dot_general3A_151 = arith.constant dense<0.000000e+00> : vector<128x128xf32>
    %dot_general3A_152 = tpu.matmul %select_n3A_149, %slice3A_150, %dot_general3A_151 {dimension_numbers = #tpu.dot_dimension_numbers<[1], [0], [0], [1], [0, 0, 1, 1], [], []>, transpose_lhs_hint = false} : vector<128x256xf32>, vector<256x128xf32>, vector<128x128xf32> -> vector<128x128xf32>
    %slice3A_153 = vector.extract_strided_slice %transpose3A {offsets = [0, 1024], sizes = [8, 256], strides = [1, 1]} : vector<8x2048xf32> to vector<8x256xf32>
    %concatenate3A_154 = tpu.concatenate %slice3A_153, %slice3A_153, %slice3A_153, %slice3A_153, %slice3A_153, %slice3A_153, %slice3A_153, %slice3A_153, %slice3A_153, %slice3A_153, %slice3A_153, %slice3A_153, %slice3A_153, %slice3A_153, %slice3A_153, %slice3A_153 in 0 : vector<8x256xf32>, vector<8x256xf32>, vector<8x256xf32>, vector<8x256xf32>, vector<8x256xf32>, vector<8x256xf32>, vector<8x256xf32>, vector<8x256xf32>, vector<8x256xf32>, vector<8x256xf32>, vector<8x256xf32>, vector<8x256xf32>, vector<8x256xf32>, vector<8x256xf32>, vector<8x256xf32>, vector<8x256xf32> -> vector<128x256xf32>
    %jit3A_155 = arith.constant 0.000000e+00 : f32
    %broadcast_in_dim3A_156 = vector.broadcast %jit3A_155 : f32 to vector<128x256xf32>
    %select_n3A_157 = arith.select %eq3A, %concatenate3A_154, %broadcast_in_dim3A_156 : vector<128x256xi1>, vector<128x256xf32>
    %slice3A_158 = vector.extract_strided_slice %select_n3A_23 {offsets = [1024, 0], sizes = [256, 128], strides = [1, 1]} : vector<2048x128xf32> to vector<256x128xf32>
    %dot_general3A_159 = arith.constant dense<0.000000e+00> : vector<128x128xf32>
    %dot_general3A_160 = tpu.matmul %select_n3A_157, %slice3A_158, %dot_general3A_159 {dimension_numbers = #tpu.dot_dimension_numbers<[1], [0], [0], [1], [0, 0, 1, 1], [], []>, transpose_lhs_hint = false} : vector<128x256xf32>, vector<256x128xf32>, vector<128x128xf32> -> vector<128x128xf32>
    %slice3A_161 = vector.extract_strided_slice %transpose3A {offsets = [0, 1280], sizes = [8, 256], strides = [1, 1]} : vector<8x2048xf32> to vector<8x256xf32>
    %concatenate3A_162 = tpu.concatenate %slice3A_161, %slice3A_161, %slice3A_161, %slice3A_161, %slice3A_161, %slice3A_161, %slice3A_161, %slice3A_161, %slice3A_161, %slice3A_161, %slice3A_161, %slice3A_161, %slice3A_161, %slice3A_161, %slice3A_161, %slice3A_161 in 0 : vector<8x256xf32>, vector<8x256xf32>, vector<8x256xf32>, vector<8x256xf32>, vector<8x256xf32>, vector<8x256xf32>, vector<8x256xf32>, vector<8x256xf32>, vector<8x256xf32>, vector<8x256xf32>, vector<8x256xf32>, vector<8x256xf32>, vector<8x256xf32>, vector<8x256xf32>, vector<8x256xf32>, vector<8x256xf32> -> vector<128x256xf32>
    %jit3A_163 = arith.constant 0.000000e+00 : f32
    %broadcast_in_dim3A_164 = vector.broadcast %jit3A_163 : f32 to vector<128x256xf32>
    %select_n3A_165 = arith.select %eq3A, %concatenate3A_162, %broadcast_in_dim3A_164 : vector<128x256xi1>, vector<128x256xf32>
    %slice3A_166 = vector.extract_strided_slice %select_n3A_23 {offsets = [1280, 0], sizes = [256, 128], strides = [1, 1]} : vector<2048x128xf32> to vector<256x128xf32>
    %dot_general3A_167 = arith.constant dense<0.000000e+00> : vector<128x128xf32>
    %dot_general3A_168 = tpu.matmul %select_n3A_165, %slice3A_166, %dot_general3A_167 {dimension_numbers = #tpu.dot_dimension_numbers<[1], [0], [0], [1], [0, 0, 1, 1], [], []>, transpose_lhs_hint = false} : vector<128x256xf32>, vector<256x128xf32>, vector<128x128xf32> -> vector<128x128xf32>
    %slice3A_169 = vector.extract_strided_slice %transpose3A {offsets = [0, 1536], sizes = [8, 256], strides = [1, 1]} : vector<8x2048xf32> to vector<8x256xf32>
    %concatenate3A_170 = tpu.concatenate %slice3A_169, %slice3A_169, %slice3A_169, %slice3A_169, %slice3A_169, %slice3A_169, %slice3A_169, %slice3A_169, %slice3A_169, %slice3A_169, %slice3A_169, %slice3A_169, %slice3A_169, %slice3A_169, %slice3A_169, %slice3A_169 in 0 : vector<8x256xf32>, vector<8x256xf32>, vector<8x256xf32>, vector<8x256xf32>, vector<8x256xf32>, vector<8x256xf32>, vector<8x256xf32>, vector<8x256xf32>, vector<8x256xf32>, vector<8x256xf32>, vector<8x256xf32>, vector<8x256xf32>, vector<8x256xf32>, vector<8x256xf32>, vector<8x256xf32>, vector<8x256xf32> -> vector<128x256xf32>
    %jit3A_171 = arith.constant 0.000000e+00 : f32
    %broadcast_in_dim3A_172 = vector.broadcast %jit3A_171 : f32 to vector<128x256xf32>
    %select_n3A_173 = arith.select %eq3A, %concatenate3A_170, %broadcast_in_dim3A_172 : vector<128x256xi1>, vector<128x256xf32>
    %slice3A_174 = vector.extract_strided_slice %select_n3A_23 {offsets = [1536, 0], sizes = [256, 128], strides = [1, 1]} : vector<2048x128xf32> to vector<256x128xf32>
    %dot_general3A_175 = arith.constant dense<0.000000e+00> : vector<128x128xf32>
    %dot_general3A_176 = tpu.matmul %select_n3A_173, %slice3A_174, %dot_general3A_175 {dimension_numbers = #tpu.dot_dimension_numbers<[1], [0], [0], [1], [0, 0, 1, 1], [], []>, transpose_lhs_hint = false} : vector<128x256xf32>, vector<256x128xf32>, vector<128x128xf32> -> vector<128x128xf32>
    %slice3A_177 = vector.extract_strided_slice %transpose3A {offsets = [0, 1792], sizes = [8, 256], strides = [1, 1]} : vector<8x2048xf32> to vector<8x256xf32>
    %concatenate3A_178 = tpu.concatenate %slice3A_177, %slice3A_177, %slice3A_177, %slice3A_177, %slice3A_177, %slice3A_177, %slice3A_177, %slice3A_177, %slice3A_177, %slice3A_177, %slice3A_177, %slice3A_177, %slice3A_177, %slice3A_177, %slice3A_177, %slice3A_177 in 0 : vector<8x256xf32>, vector<8x256xf32>, vector<8x256xf32>, vector<8x256xf32>, vector<8x256xf32>, vector<8x256xf32>, vector<8x256xf32>, vector<8x256xf32>, vector<8x256xf32>, vector<8x256xf32>, vector<8x256xf32>, vector<8x256xf32>, vector<8x256xf32>, vector<8x256xf32>, vector<8x256xf32>, vector<8x256xf32> -> vector<128x256xf32>
    %jit3A_179 = arith.constant 0.000000e+00 : f32
    %broadcast_in_dim3A_180 = vector.broadcast %jit3A_179 : f32 to vector<128x256xf32>
    %select_n3A_181 = arith.select %eq3A, %concatenate3A_178, %broadcast_in_dim3A_180 : vector<128x256xi1>, vector<128x256xf32>
    %slice3A_182 = vector.extract_strided_slice %select_n3A_23 {offsets = [1792, 0], sizes = [256, 128], strides = [1, 1]} : vector<2048x128xf32> to vector<256x128xf32>
    %dot_general3A_183 = arith.constant dense<0.000000e+00> : vector<128x128xf32>
    %dot_general3A_184 = tpu.matmul %select_n3A_181, %slice3A_182, %dot_general3A_183 {dimension_numbers = #tpu.dot_dimension_numbers<[1], [0], [0], [1], [0, 0, 1, 1], [], []>, transpose_lhs_hint = false} : vector<128x256xf32>, vector<256x128xf32>, vector<128x128xf32> -> vector<128x128xf32>
    %concatenate3A_185 = tpu.concatenate %dot_general3A_128, %dot_general3A_136, %dot_general3A_144, %dot_general3A_152, %dot_general3A_160, %dot_general3A_168, %dot_general3A_176, %dot_general3A_184 in 0 : vector<128x128xf32>, vector<128x128xf32>, vector<128x128xf32>, vector<128x128xf32>, vector<128x128xf32>, vector<128x128xf32>, vector<128x128xf32>, vector<128x128xf32> -> vector<1024x128xf32>
    %reshape3A = vector.shape_cast %concatenate3A_185 : vector<1024x128xf32> to vector<128x1024xf32>
    %get3A_186 = arith.constant 0 : index
    %get3A_187 = arith.constant 0 : index
    %get3A_188 = vector.load %arg7[%get3A_186, %get3A_187] : memref<1024x128xf32, #tpu.memory_space<vmem>>, vector<1024x128xf32>
    %dot_general3A_189 = arith.constant dense<0.000000e+00> : vector<128x128xf32>
    %dot_general3A_190 = tpu.matmul %reshape3A, %get3A_188, %dot_general3A_189 {dimension_numbers = #tpu.dot_dimension_numbers<[1], [0], [0], [1], [0, 0, 1, 1], [], []>, transpose_lhs_hint = false} : vector<128x1024xf32>, vector<1024x128xf32>, vector<128x128xf32> -> vector<128x128xf32>
    %ge3A_191 = arith.constant 0.000000e+00 : f32
    %ge3A_192 = vector.broadcast %ge3A_191 : f32 to vector<128x128xf32>
    %ge3A_193 = arith.cmpf oge, %dot_general3A_190, %ge3A_192 : vector<128x128xf32>
    %mul3A_194 = arith.constant 1.000000e-01 : f32
    %mul3A_195 = vector.broadcast %mul3A_194 : f32 to vector<128x128xf32>
    %mul3A_196 = arith.mulf %mul3A_195, %dot_general3A_190 : vector<128x128xf32>
    %select_n3A_197 = arith.select %ge3A_193, %dot_general3A_190, %mul3A_196 : vector<128x128xi1>, vector<128x128xf32>
    %transpose3A_198 = tpu.transpose %select_n3A_197, [1, 0] : vector<128x128xf32> -> vector<128x128xf32>
    %swap3A = arith.constant 0 : index
    %swap3A_199 = arith.constant 0 : index
    %swap3A_200 = arith.constant 0 : index
    %swap3A_201 = vector.load %arg8[%swap3A, %swap3A_199, %swap3A_200] : memref<1x128x128xf32, #tpu.memory_space<vmem>>, vector<1x128x128xf32>
    %swap3A_202 = vector.shape_cast %swap3A_201 : vector<1x128x128xf32> to vector<128x128xf32>
    %swap3A_203 = vector.shape_cast %transpose3A_198 : vector<128x128xf32> to vector<1x128x128xf32>
    tpu.vector_store %arg8[%swap3A, %swap3A_199, %swap3A_200], %swap3A_203 {strides = array<i32>} : memref<1x128x128xf32, #tpu.memory_space<vmem>>, vector<1x128x128xf32>,
    return
  }
  func.func @transform_0(%arg0: i32, %arg1: i32) -> (i32, i32, i32) {
    %c0_i32 = arith.constant 0 : i32
    %c0_i32_0 = arith.constant 0 : i32
    return %arg0, %arg1, %c0_i32 : i32, i32, i32
  }
  func.func @transform_1(%arg0: i32, %arg1: i32) -> (i32, i32) {
    %c0_i32 = arith.constant 0 : i32
    %c0_i32_0 = arith.constant 0 : i32
    %c0_i32_1 = arith.constant 0 : i32
    return %c0_i32, %c0_i32_0 : i32, i32
  }
  func.func @transform_2(%arg0: i32, %arg1: i32) -> (i32, i32) {
    %c0_i32 = arith.constant 0 : i32
    %c0_i32_0 = arith.constant 0 : i32
    %c0_i32_1 = arith.constant 0 : i32
    return %c0_i32, %c0_i32_0 : i32, i32
  }
  func.func @transform_3(%arg0: i32, %arg1: i32) -> (i32, i32) {
    %c0_i32 = arith.constant 0 : i32
    %c0_i32_0 = arith.constant 0 : i32
    %c0_i32_1 = arith.constant 0 : i32
    return %c0_i32, %c0_i32_0 : i32, i32
  }
  func.func @transform_4(%arg0: i32, %arg1: i32) -> (i32, i32) {
    %c0_i32 = arith.constant 0 : i32
    %c0_i32_0 = arith.constant 0 : i32
    %c0_i32_1 = arith.constant 0 : i32
    return %c0_i32, %c0_i32_0 : i32, i32
  }
  func.func @transform_5(%arg0: i32, %arg1: i32) -> (i32, i32) {
    %c0_i32 = arith.constant 0 : i32
    %c0_i32_0 = arith.constant 0 : i32
    %c0_i32_1 = arith.constant 0 : i32
    return %c0_i32, %c0_i32_0 : i32, i32
  }
  func.func @transform_6(%arg0: i32, %arg1: i32) -> (i32, i32, i32) {
    %c0_i32 = arith.constant 0 : i32
    %c0_i32_0 = arith.constant 0 : i32
    return %arg0, %c0_i32, %arg1 : i32, i32, i32
  }
}

</mosaic_0001>

<sc_bundles>
// kernel: gather_offload_async_start.1
scs
__scs_entry_jumppad:
0x0: {  	(pc) =	sbr.rel $0x88, $3  }
0x1: {  	(tag) =	ssettag $0x0;
	lr =	simm.s32 $0x1  }
0x2: {  	[smem:$0x3F95] =	sst lr;
	_ =	strace $0xD0000000  }
0x3: {  	_ = 	snop  }
0x4: {  	_ = 	snop  }
0x5: {  	_ = 	snop  }
0x6: {  	_ = 	snop  }
0x7: {  	_ = 	snop  }
__scs_overlays_trampoline_lowered:
0x8: {  	[smem:$0x3FA4] =	sst s0  }
0x9: {  	[smem:$0x3FA5] =	sst s1  }
0xa: {  	[smem:$0x3FA6] =	sst s2  }
0xb: {  	[smem:$0x3FA7] =	sst s3  }
0xc: {  	[smem:$0x3FA8] =	sst s4  }
0xd: {  	[smem:$0x3FA9] =	sst s5  }
0xe: {  	[smem:$0x3FAA] =	sst s6  }
0xf: {  	[smem:$0x3FAB] =	sst s7  }
0x10: {  	[smem:$0x3FAC] =	sst s8  }
0x11: {  	[smem:$0x3FAD] =	sst s9;
	s0 =	simm.s32 @!p0 $0x0  }
0x12: {  	s1 =	sld [smem:$0x3F93];
	s0 =	simm.s32 @p0 $0x1  }
0x13: {  	[smem:$0x3FAE] =	sst s0;
	s0 =	simm.s32 @!p1 $0x0  }
0x14: {  	s2 =	sld [smem:$0x3F92];
	s0 =	simm.s32 @p1 $0x1  }
0x15: {  	[smem:$0x3FAF] =	sst s0;
	s0 =	simm.s32 @!p2 $0x0  }
0x16: {  	s3 =	sld [smem:$0x3FDB];
	s0 =	simm.s32 @p2 $0x1  }
0x17: {  	s4 =	simm.s32 $0x1BF5;
	[smem:$0x3FB1] =	sst s0  }
0x18: {  	s0 =	sld [smem:$0x3F94];
	_ =	swait.ge [sflag:s4], $0x0  }
0x19: {  	s7 =	sld [smem:$0x3F95]  }
0x1a: {  	s8 =	sadd.s32 $0xFFFFE003, lr  }
0x1b: {  	s9 =	sadd.s32 $0xFFFFFEF7, lr;
	s5 =	simm.s32 $0xFFFFFFFF;
	p2 =	slt.u32 s8, $0xFFFFF086  }
0x1c: {  	p1 =	slt.u32 s9, $0xF7A;
	s5 =	simm.s32 @!p2 $0x0  }
0x1d: {  	s5 =	simm.s32 @p1 $0x1;
	p0 =	seq.s32 s7, s2  }
0x1e: {  	s7 =	smul.u32 @!p0 $0xF7A, s2;
	p2 =	seq.s32 @!p0 s5, $0x0  }
0x1f: {  	s9 =	smul.u32 $0xF7A, s1;
	s8 =	simm.s32 @!p0 $0x1BF5;
	p2 =	por !p2, p0  }
0x20: {  	[sflag:s8] =	ssyncset.s32 @!p0 $0xFFFFF086;
	s6 =	sadd.s32 @!p0 s3, s7;
	s7 =	simm.s32 @!p0 $0x108  }
0x21: {  	s3 =	sadd.s32 s3, s9;
	s6 =	sadd.s32 @!p0 $0x88, s6;
	s7 =	simm.s32 @p2 $0x1082  }
0x22: {  	[simem:s7], [sflag:s8] =	dma.local @!p0 [hbm:s6], $0xF7A  }
0x23: {  	s9 =	sor.u32 $0xD0000000, s2;
	s6 =	simm.s32 $0x108;
	_ =	swait.ge @!p0 [sflag:s8], $0x0  }
0x24: {  	s3 =	sadd.s32 $0x88, s3;
	s6 =	simm.s32 @!p1 $0x1082;
	[sflag:s4] =	ssyncset.s32 $0xFFFFF086  }
0x25: {  	[simem:s6], [sflag:s4] =	dma.local [hbm:s3], $0xF7A  }
0x26: {  	[smem:$0x3F95] =	sst s1;
	(tag) =	ssettag s2;
	_ =	strace s9  }
0x27: {  	s1 =	sld [smem:$0x3FA5]  }
0x28: {  	s2 =	sld [smem:$0x3FA6]  }
0x29: {  	s4 =	sld [smem:$0x3FA8]  }
0x2a: {  	p0 =	seq.s32 s5, $0x0;
	s5 =	sld [smem:$0x3FA9]  }
0x2b: {  	s6 =	sld [smem:$0x3FAA]  }
0x2c: {  	s7 =	sld [smem:$0x3FAB]  }
0x2d: {  	s3 =	simm.s32 $0x108;
	s8 =	sld [smem:$0x3FAC]  }
0x2e: {  	s3 =	simm.s32 @!p0 $0x1082;
	s9 =	sld [smem:$0x3FAD]  }
0x2f: {  	lr =	sadd.s32 s0, s3;
	s0 =	sld [smem:$0x3FA4]  }
0x30: {  	s3 =	sld [smem:$0x3FA7]  }
0x31: {  	[smem:$0x3FB0] =	sst s10  }
0x32: {  	s10 =	sld [smem:$0x3FAE];
	_ =	sdelay $0x3  }
0x33: {  	p0 =	seq.s32 s10, $0x1;
	s10 =	sld [smem:$0x3FB0];
	_ =	sdelay $0x3  }
0x34: {  	[smem:$0x3FB0] =	sst s10  }
0x35: {  	s10 =	sld [smem:$0x3FAF];
	_ =	sdelay $0x3  }
0x36: {  	p1 =	seq.s32 s10, $0x1;
	s10 =	sld [smem:$0x3FB0];
	_ =	sdelay $0x3  }
0x37: {  	[smem:$0x3FB0] =	sst s10  }
0x38: {  	s10 =	sld [smem:$0x3FB1]  }
0x39: {  	_ = 	snop;
	(pc) =	sbr.ind lr, $3  }
0x3a: {  	_ = 	snop  }
0x3b: {  	_ = 	snop  }
0x3c: {  	p2 =	seq.s32 s10, $0x1;
	s10 =	sld [smem:$0x3FB0]  }
0x3d: {  	_ =	shalt  }
0x3e: {  	_ =	shalt  }
0x3f: {  	_ =	shalt  }
0x40: {  	_ =	shalt  }
0x41: {  	_ =	shalt  }
0x42: {  	_ =	shalt  }
0x43: {  	_ =	shalt  }
0x44: {  	_ =	shalt  }
0x45: {  	_ =	shalt  }
0x46: {  	_ =	shalt  }
0x47: {  	_ =	shalt  }
0x48: {  	_ =	shalt  }
0x49: {  	_ =	shalt  }
0x4a: {  	_ =	shalt  }
0x4b: {  	_ =	shalt  }
0x4c: {  	_ =	shalt  }
0x4d: {  	_ =	shalt  }
0x4e: {  	_ =	shalt  }
0x4f: {  	_ =	shalt  }
0x50: {  	_ =	shalt  }
0x51: {  	_ =	shalt  }
0x52: {  	_ =	shalt  }
0x53: {  	_ =	shalt  }
0x54: {  	_ =	shalt  }
0x55: {  	_ =	shalt  }
0x56: {  	_ =	shalt  }
0x57: {  	_ =	shalt  }
0x58: {  	_ =	shalt  }
0x59: {  	_ =	shalt  }
0x5a: {  	_ =	shalt  }
0x5b: {  	_ =	shalt  }
0x5c: {  	_ =	shalt  }
0x5d: {  	_ =	shalt  }
0x5e: {  	_ =	shalt  }
0x5f: {  	_ =	shalt  }
0x60: {  	_ =	shalt  }
0x61: {  	_ =	shalt  }
0x62: {  	_ =	shalt  }
0x63: {  	_ =	shalt  }
0x64: {  	_ =	shalt  }
0x65: {  	_ =	shalt  }
0x66: {  	_ =	shalt  }
0x67: {  	_ =	shalt  }
0x68: {  	_ =	shalt  }
0x69: {  	_ =	shalt  }
0x6a: {  	_ =	shalt  }
0x6b: {  	_ =	shalt  }
0x6c: {  	_ =	shalt  }
0x6d: {  	_ =	shalt  }
0x6e: {  	_ =	shalt  }
0x6f: {  	_ =	shalt  }
0x70: {  	_ =	shalt  }
0x71: {  	_ =	shalt  }
0x72: {  	_ =	shalt  }
0x73: {  	_ =	shalt  }
0x74: {  	_ =	shalt  }
0x75: {  	_ =	shalt  }
0x76: {  	_ =	shalt  }
0x77: {  	_ =	shalt  }
0x78: {  	_ =	shalt  }
0x79: {  	_ =	shalt  }
0x7a: {  	_ =	shalt  }
0x7b: {  	_ =	shalt  }
0x7c: {  	_ =	shalt  }
0x7d: {  	_ =	shalt  }
0x7e: {  	_ =	shalt  }
0x7f: {  	_ =	shalt  }
0x80: {  	_ =	shalt  }
0x81: {  	_ =	shalt  }
0x82: {  	_ =	shalt  }
0x83: {  	_ =	shalt  }
0x84: {  	_ =	shalt  }
0x85: {  	_ =	shalt  }
0x86: {  	_ =	shalt  }
0x87: {  	_ =	shalt  }
.Lfunc_end0:
.L_simem_size_0:
called_computation.2_lowered:
.L_overlay_start_0:
0x88: {  	s2 =	sld [smem:$0x3FD9]  }
0x89: {  	s3 =	sld [smem:$0x3FFE];
	_ =	sdelay $0x1  }
0x8a: {  	s1 =	srdreg.scid  }
0x8b: {  	s0 =	sand.u32 $0x1, s1  }
0x8c: {  	s17 =	sshll.u32 s0, $0xA;
	s2 =	sadd.s32 s3, s2  }
0x8d: {  	s2 =	sadd.s32 s2, s17  }
0x8e: {  	[smem:$0x3FBC] =	sst s2  }
0x8f: {  	_ = 	snop  }
0x90: {  	s2 =	sld [smem:$0x3FD0];
	(tm) =	ssettm $0x1  }
0x91: {  	s18 =	sld [smem:$0x3FFB];
	_ =	sdelay $0x3  }
0x92: {  	_ =	strace s18  }
0x93: {  	s3 =	sld [smem:$0x3FFC];
	_ =	sdelay $0x3  }
0x94: {  	_ =	strace s3  }
0x95: {  	s3 =	sld [smem:$0x3FFD];
	_ =	sdelay $0x3  }
0x96: {  	_ =	strace s3  }
0x97: {  	_ =	strace $0x8FFFFFFF  }
0x98: {  	s19 =	sld [smem:$0x3FDB];
	_ =	sdelay $0x1  }
0x99: {  	s4 =	simm.s32 $_scs_section_size  }
0x9a: {  	s5 =	simm.s32 $_size__tile_overlayer_lowered;
	s6 =	simm.s32 $_tile_overlayer_lowered  }
0x9b: {  	s22 =	simm.s32 $0x1BFF;
	s21 =	sshll.u32 s6, $0x1;
	s3 =	sadd.s32 s4, s19  }
0x9c: {  	s7 =	simm.s32 $0x0;
	s20 =	sshll.u32 s5, $0x1;
	s5 =	sadd.s32 s21, s3  }
0x9d: {  	[timem:s7], [sflag:s22] =	dma.local [hbm:s5], s20  }
0x9e: {  	_ =	swait.ge [sflag:s22], s20  }
0x9f: {  	s4 =	ssub.s32 $0x0, s20;
	[sflag:s22] =	ssyncset.done $0x0  }
0xa0: {  	[sflag:s22] =	ssyncadd.s32 s4;
	_ =	sdelay $0x1  }
0xa1: {  	s23 =	simm.s32 $0x1B8B  }
0xa2: {  	_ =	swait.ge [sflag:s23], $0x1  }
0xa3: {  	[sflag:s23] =	ssyncset.done $0x0  }
0xa4: {  	s25 =	simm.s32 $0x1B8E;
	s24 =	sld [smem:$0x3FFE];
	[sflag:s23] =	ssyncadd.s32 $0xFFFFFFFF  }
0xa5: {  	s26 =	simm.s32 $execute0_lowered;
	[smem:$0x3FD2] =	sst s25  }
0xa6: {  	s5 =	sshll.u32 s26, $0x1;
	_ =	strace $0x80000049;
	[dreg:$0x1] =	wrdreg $0xFFFFFFFF  }
0xa7: {  	s28 =	simm.s32 $_size_execute0_lowered;
	s3 =	sadd.s32 s3, s5;
	[dreg:$0x0] =	wrdreg $0x0  }
0xa8: {  	s5 =	sshll.u32 s28, $0x1;
	[dreg:$0x2] =	wrdreg s3  }
0xa9: {  	[dreg:$0x3] =	wrdreg s5  }
0xaa: {  	[dreg:$0x4] =	wrdreg $0xC0  }
0xab: {  	_ =	task [dreg:s7], $0x5FFFF  }
0xac: {  	[dreg:$0x1] =	wrdreg $0xFFFFFFFF  }
0xad: {  	[dreg:$0x0] =	wrdreg $0x60  }
0xae: {  	[dreg:$0x2] =	wrdreg s24  }
0xaf: {  	[dreg:$0x3] =	wrdreg s2  }
0xb0: {  	[dreg:$0x4] =	wrdreg $0xA  }
0xb1: {  	_ =	task.clear_ibuf [dreg:s7], $0x5FFFF;
	_ =	strace $0x90000049  }
0xb2: {  	s29 =	simm.s32 $0xA;
	_ =	strace $0x8000004B  }
0xb3: {  	_ =	swait.ge [sflag:s29], $0x1  }
0xb4: {  	[sflag:s29] =	ssyncadd.s32 $0xFFFFFFFF  }
0xb5: {  	_ =	strace $0x9000004B  }
0xb6: {  	_ =	sfence  }
0xb7: {  	s30 =	sld [smem:$0x0];
	_ =	sdelay $0x2  }
0xb8: {  	s31 =	sshll.u32 s1, $0xD;
	s1 =	sshrl.u32 s1, $0x2  }
0xb9: {  	s3 =	sand.u32 $0x4000, s31;
	s1 =	sadd.s32 s1, s30  }
0xba: {  	s0 =	sor.u32 s3, s0;
	s1 =	sshll.u32 s1, $0x11  }
0xbb: {  	s0 =	sor.u32 s1, s0  }
0xbc: {  	s0 =	sadd.s32 $0x8F2B, s0  }
0xbd: {  	[sflag:s0] =	ssyncadd.remote.s32 $0x1  }
0xbe: {  	_ =	sfence.sel $0xFFFF  }
0xbf: {  	[dreg:$0x0] =	wrdreg $0xFFFFFFFF;
	(pc) =	sbr.abs _section_cstart, $3  }
0xc0: {  	[dreg:$0x1] =	wrdreg $0xFFFFFFFF  }
0xc1: {  	_ =	task.clear_ibuf [dreg:s7], $0x2FFFF;
	_ =	strace $0x9FFFFFFF  }
0xc2: {  	(tm) =	ssettm $0x7FFFFFFF  }
0xc3: {  	_ =	shalt  }
tec
execute0_lowered:
.L_overlay_start_1:
0x0: {  	(tag) =	ssettag $0x1  }
0x1: {  	s2 =	rddreg [dreg:$0x0]  }
0x2: {  	s3 =	rddreg [dreg:$0x1]  }
0x3: {  	s0 =	rddreg [dreg:$0x2];
	s1 =	srdreg.scid;
	_ =	strace $0x8000004A  }
0x4: {  	s4 =	simm.s32 $0x1;
	s9 =	simm.s32 $0x3;
	s5 =	sshll.u32 s1, $0x4  }
.Ltmp0:
0x5: {  	s1 =	stileid.u32;
	s5 =	sand.u32 $0x10, s5;
	(pc) =	sbr.rel .LBB2_1-.Ltmp0, $4  }
0x6: {  	s11 =	simm.s32 $0x0;
	p0 =	por $0x0, $0x0;
	s6 =	sor.u32 s1, s5  }
0x7: {  	[sflag:s4] =	ssyncpa.u1 $0x0;
	s5 =	simm.s32 $0x2;
	s6 =	sshll.u32 s6, $0xC  }
0x8: {  	s7 =	sadd.s32 $0x200000, s2;
	[sflag:s5] =	ssyncpa.u1 $0x0;
	s8 =	sadd.s32 $0x1000, s6  }
0x9: {  	vm0 =	vmmov $0xff;
	vm1 =	vcmask $0x3F20;
	[sflag:s9] =	ssyncpa.u1 $0x0;
	s10 =	smov.u32 s6;
	s9 =	simm.s32 $0x0  }
.LBB2_7:
0xa: {  	p1 =	slt.u32 s9, $0x2;
	s11 =	sadd.s32 $0x100, s10  }
0xb: {  	s13 =	smov.u32 s6;
	s9 =	sadd.s32 $0x1, s9;
	p2 =	slt.s32 s11, s8  }
0xc: {  	s13 =	smov.u32 @p2 s11;
	p2 =	sne.s32 s9, $0x12  }
.Ltmp1:
0xd: {  	_ = 	snop;
	(pc) =	sbr.rel @!p2 .LBB2_8-.Ltmp1, $4  }
0xe: {  	s12 =	simm.s32 @!p1 $0x3  }
0xf: {  	_ =	swait.ge @!p1 [sflag:s12], $0x8000  }
0x10: {  	p0 =	por !p0, !p0;
	[sflag:s12] =	ssyncset.done @!p1 $0x0  }
0x11: {  	s11 =	smov.u32 s10;
	s10 =	smov.u32 s13;
	[sflag:s12] =	ssyncadd.s32 @!p1 $0xFFFF8000  }
.LBB2_1:
0x12: {  	p1 =	sgt.u32 s9, $0xF  }
0x13: {  	s12 =	sxor.u32 @!p1 $0xFFFFFFFF, s9  }
0x14: {  	s13 =	sshrl.u32 @!p1 s10, $0x3;
	s12 =	sshll.u32 @!p1 s12, $0x8  }
0x15: {  	s14 =	sand.u32 @!p1 $0x7, s10;
	s13 =	sadd.s32 @!p1 s3, s13;
	s12 =	sand.u32 @!p1 $0x100, s12  }
0x16: {  	[tilespmem:s12], [sflag:$0x2] =	stream.linear.gather @!p1 [hbm4b:s13+s14], $0x100, $0x38;
	[tilespmem:$0x10200] =	vst v63  }
0x17: {  	p1 =	seq.s32 s9, $0x0  }
0x18: {  	p2 =	seq.s32 @!p1 s9, $0x11  }
0x19: {  	p1 =	por p1, p2  }
.Ltmp2:
0x1a: {  	_ = 	snop;
	(pc) =	sbr.rel @p1 .LBB2_7-.Ltmp2, $1  }
0x1b: {  	_ =	sdelay $0x3  }
0x1c: {  	s12 =	simm.s32 $0x1  }
0x1d: {  	_ =	swait.ge [sflag:s5], $0x100;
	s12 =	simm.s32 @!p0 $0x0  }
0x1e: {  	[sflag:s5] =	ssyncset.done $0x0;
	s14 =	sshll.u32 s12, $0x8  }
0x1f: {  	[sflag:s5] =	ssyncadd.s32 $0xFFFFFF00;
	s13 =	sadd.s32 $0x0, s14  }
0x20: {  	v0 =	vld.msk [tilespmem:s13+$0x0 ss:$0x1], $0xffff;
	_ =	sdelay $0x4  }
0x21: {  	v1 =	vshll.u32 v0, $0x3  }
0x22: {  	vm2 =	veq.s32 v0, $0x80000000;
	v0 =	vshll.u32 v0, $0x14;
	v1 =	vand.u32 $0xFFF80, v1  }
0x23: {  	v0 =	vand.u32 $0xF00000, v0;
	v1 =	vsel vm2, $0xFFFFFF80, v1  }
0x24: {  	v0 =	vsel vm2, $0xFFF00000, v0;
	v2 =	vand.u32 $0xFFFFFC00, v1  }
0x25: {  	v1 =	vand.u32 $0x380, v1;
	v0 =	vadd.s32 v0, v2  }
0x26: {  	v0 =	vor.u32 v1, v0  }
0x27: {  	v0 =	vshrl.u32 v0, $0x3;
	_ =	sdelay $0x2  }
0x28: {  	s12 =	sshll.u32 s12, $0xF  }
0x29: {  	s12 =	sor.u32 $0x200, s12  }
0x2a: {  	[tilespmem:s12], [sflag:$0x1] =	stream.indirect_vreg.gather [hbm:s2], $0x80, v0, vm0, $0x38;
	[tilespmem:$0x10200] =	vst v63  }
0x2b: {  	s15 =	sadd.s32 $0x10, s14;
	s13 =	sadd.s32 $0x400, s12  }
0x2c: {  	[tilespmem:s13], [sflag:$0x1] =	stream.indirect_vreg.gather [hbm:s2], $0x80, v0, vm1, $0x38;
	[tilespmem:$0x10200] =	vst v63  }
0x2d: {  	s16 =	simm.s32 $0x80;
	v0 =	vld.msk [tilespmem:s15+$0x0 ss:$0x1], $0xffff;
	s15 =	smov.u32 s12  }
.LBB2_3:
0x2e: {  	p1 =	sne.s32 s16, $0x3C0;
	_ =	sdelay $0x4  }
0x2f: {  	v1 =	vshll.u32 v0, $0x3  }
0x30: {  	vm2 =	veq.s32 v0, $0x80000000;
	v0 =	vshll.u32 v0, $0x14;
	v1 =	vand.u32 $0xFFF80, v1  }
0x31: {  	v0 =	vand.u32 $0xF00000, v0;
	v1 =	vsel vm2, $0xFFFFFF80, v1  }
0x32: {  	v0 =	vsel vm2, $0xFFF00000, v0;
	v2 =	vand.u32 $0xFFFFFC00, v1  }
0x33: {  	v1 =	vand.u32 $0x380, v1;
	v0 =	vadd.s32 v0, v2  }
0x34: {  	v0 =	vor.u32 v1, v0  }
0x35: {  	v0 =	vshrl.u32 v0, $0x3;
	_ =	sdelay $0x3  }
.Ltmp3:
0x36: {  	s17 =	sshra.s32 s16, $0x2;
	s15 =	sadd.s32 $0x800, s15;
	(pc) =	sbr.rel @p1 .LBB2_3-.Ltmp3, $4  }
0x37: {  	[tilespmem:s15], [sflag:$0x1] =	stream.indirect_vreg.gather [hbm:s2], $0x80, v0, vm0, $0x38;
	[tilespmem:$0x10200] =	vst v63  }
0x38: {  	s17 =	sadd.s32 s17, s14;
	s18 =	sadd.s32 $0x400, s15  }
0x39: {  	[tilespmem:s18], [sflag:$0x1] =	stream.indirect_vreg.gather [hbm:s2], $0x80, v0, vm1, $0x38;
	[tilespmem:$0x10200] =	vst v63  }
0x3a: {  	s16 =	sadd.s32 $0x40, s16;
	v0 =	vld.msk [tilespmem:s17+$0x0 ss:$0x1], $0xffff  }
0x3b: {  	_ =	sdelay $0x3  }
0x3c: {  	v1 =	vshll.u32 v0, $0x3  }
0x3d: {  	vm2 =	veq.s32 v0, $0x80000000;
	v63 =	vshll.u32 v0, $0x14;
	v1 =	vand.u32 $0xFFF80, v1  }
0x3e: {  	v0 =	vand.u32 $0xF00000, v63;
	v1 =	vsel vm2, $0xFFFFFF80, v1  }
0x3f: {  	v0 =	vsel vm2, $0xFFF00000, v0;
	v2 =	vand.u32 $0xFFFFFC00, v1  }
0x40: {  	v1 =	vand.u32 $0x380, v1;
	v0 =	vadd.s32 v0, v2  }
0x41: {  	v0 =	vor.u32 v1, v0  }
0x42: {  	v0 =	vshrl.u32 v0, $0x3;
	_ =	sdelay $0x3  }
0x43: {  	s14 =	sadd.s32 $0x800, s15  }
0x44: {  	[tilespmem:s14], [sflag:$0x1] =	stream.indirect_vreg.gather [hbm:s2], $0x80, v0, vm0, $0x38;
	[tilespmem:$0x10200] =	vst v63  }
0x45: {  	s14 =	sadd.s32 $0x400, s14  }
0x46: {  	[tilespmem:s14], [sflag:$0x1] =	stream.indirect_vreg.gather [hbm:s2], $0x80, v0, vm1, $0x38;
	[tilespmem:$0x10200] =	vst v63  }
0x47: {  	s11 =	sshll.u32 s11, $0x4;
	_ =	swait.ge [sflag:s4], $0x8000  }
0x48: {  	s11 =	sadd.s32 s11, s7;
	[sflag:s4] =	ssyncset.done $0x0  }
0x49: {  	s15 =	sadd.s32 $0x0, s11;
	s14 =	simm.s32 $0x80;
	[sflag:s4] =	ssyncadd.s32 $0xFFFF8000  }
.LBB2_5:
0x4a: {  	[hbm:s15] =	stream.linear.scatter [tilespmem:s12], [sflag:$0x3], $0x400, $0x38;
	[tilespmem:$0x10200] =	vst v63  }
0x4b: {  	s15 =	smov.u32 s14;
	s12 =	smov.u32 s13;
	p1 =	sne.s32 s14, $0xF80  }
.Ltmp4:
0x4c: {  	s14 =	sadd.s32 $0x80, s14;
	(pc) =	sbr.rel @p1 .LBB2_5-.Ltmp4, $2  }
0x4d: {  	_ =	sdelay $0x2  }
0x4e: {  	s13 =	sadd.s32 $0x400, s13;
	s15 =	sadd.s32 s15, s11  }
.Ltmp5:
0x4f: {  	(pc) =	sbr.rel .LBB2_7-.Ltmp5, $2  }
0x50: {  	_ =	sdelay $0x2  }
0x51: {  	[hbm:s15] =	stream.linear.scatter [tilespmem:s12], [sflag:$0x3], $0x400, $0x38;
	[tilespmem:$0x10200] =	vst v63  }
.LBB2_8:
0x52: {  	_ =	sfence.sel $0x180000  }
0x53: {  	s2 =	simm.s32 $0x2;
	[bflag:$0x0] =	sbarrier.arrive $0xFFFF  }
0x54: {  	s30 =	simm.s32 $0x3;
	[sflag:s2] =	ssyncpa.u1 $0x1  }
0x55: {  	s31 =	simm.s32 $0x1;
	[sflag:s30] =	ssyncpa.u1 $0x1  }
0x56: {  	[sflag:s31] =	ssyncpa.u1 $0x1  }
0x57: {  	p0 =	sne.s32 s1, $0x0;
	_ =	strace $0x9000004A  }
0x58: {  	s0 =	sadd.s32 @!p0 $0x100000, s0;
	[bflag:$0x2] =	sbarrier.arrive $0xFFFF  }
0x59: {  	[sflag:s0] =	ssyncadd.tile.s32 @!p0 $0x1;
	_ =	shalt  }
.Lfunc_end2:
_tile_overlayer_lowered:
.L_overlay_start_2:
0x5a: {  	(tag) =	ssettag $0x2  }
0x5b: {  	s0 =	rddreg [dreg:$0x0];
	s2 =	stileid.u32  }
0x5c: {  	s1 =	rddreg [dreg:$0x1];
	p0 =	sne.s32 s2, $0x0  }
0x5d: {  	s3 =	rddreg [dreg:$0x2];
	[bflag:$0x3] =	sbarrier.arrive $0xFFFF;
	s2 =	simm.s32 @!p0 $0x1C01  }
0x5e: {  	[timem:s3], [sflag:s2] =	dma.local @!p0 [hbm:s0], s1  }
0x5f: {  	s0 =	simm.s32 @!p0 $0x1  }
0x60: {  	_ =	swait.ge @!p0 [sflag:s0], s1  }
0x61: {  	s1 =	ssub.s32 @!p0 $0x0, s1;
	[sflag:s0] =	ssyncset.done @!p0 $0x0  }
0x62: {  	[sflag:s0] =	ssyncadd.s32 @!p0 s1  }
0x63: {  	[bflag:$0x3] =	sbarrier.arrive $0xFFFF  }
0x64: {  	_ =	shalt  }

// kernel: gather_offload_async_start
scs
__scs_entry_jumppad:
0x0: {  	(pc) =	sbr.rel $0x88, $3  }
0x1: {  	(tag) =	ssettag $0x0;
	lr =	simm.s32 $0x1  }
0x2: {  	[smem:$0x3F95] =	sst lr;
	_ =	strace $0xD0000000  }
0x3: {  	_ = 	snop  }
0x4: {  	_ = 	snop  }
0x5: {  	_ = 	snop  }
0x6: {  	_ = 	snop  }
0x7: {  	_ = 	snop  }
__scs_overlays_trampoline_lowered:
0x8: {  	[smem:$0x3FA4] =	sst s0  }
0x9: {  	[smem:$0x3FA5] =	sst s1  }
0xa: {  	[smem:$0x3FA6] =	sst s2  }
0xb: {  	[smem:$0x3FA7] =	sst s3  }
0xc: {  	[smem:$0x3FA8] =	sst s4  }
0xd: {  	[smem:$0x3FA9] =	sst s5  }
0xe: {  	[smem:$0x3FAA] =	sst s6  }
0xf: {  	[smem:$0x3FAB] =	sst s7  }
0x10: {  	[smem:$0x3FAC] =	sst s8  }
0x11: {  	[smem:$0x3FAD] =	sst s9;
	s0 =	simm.s32 @!p0 $0x0  }
0x12: {  	s1 =	sld [smem:$0x3F93];
	s0 =	simm.s32 @p0 $0x1  }
0x13: {  	[smem:$0x3FAE] =	sst s0;
	s0 =	simm.s32 @!p1 $0x0  }
0x14: {  	s2 =	sld [smem:$0x3F92];
	s0 =	simm.s32 @p1 $0x1  }
0x15: {  	[smem:$0x3FAF] =	sst s0;
	s0 =	simm.s32 @!p2 $0x0  }
0x16: {  	s3 =	sld [smem:$0x3FDB];
	s0 =	simm.s32 @p2 $0x1  }
0x17: {  	s4 =	simm.s32 $0x1BF5;
	[smem:$0x3FB1] =	sst s0  }
0x18: {  	s0 =	sld [smem:$0x3F94];
	_ =	swait.ge [sflag:s4], $0x0  }
0x19: {  	s7 =	sld [smem:$0x3F95]  }
0x1a: {  	s8 =	sadd.s32 $0xFFFFE003, lr  }
0x1b: {  	s9 =	sadd.s32 $0xFFFFFEF7, lr;
	s5 =	simm.s32 $0xFFFFFFFF;
	p2 =	slt.u32 s8, $0xFFFFF086  }
0x1c: {  	p1 =	slt.u32 s9, $0xF7A;
	s5 =	simm.s32 @!p2 $0x0  }
0x1d: {  	s5 =	simm.s32 @p1 $0x1;
	p0 =	seq.s32 s7, s2  }
0x1e: {  	s7 =	smul.u32 @!p0 $0xF7A, s2;
	p2 =	seq.s32 @!p0 s5, $0x0  }
0x1f: {  	s9 =	smul.u32 $0xF7A, s1;
	s8 =	simm.s32 @!p0 $0x1BF5;
	p2 =	por !p2, p0  }
0x20: {  	[sflag:s8] =	ssyncset.s32 @!p0 $0xFFFFF086;
	s6 =	sadd.s32 @!p0 s3, s7;
	s7 =	simm.s32 @!p0 $0x108  }
0x21: {  	s3 =	sadd.s32 s3, s9;
	s6 =	sadd.s32 @!p0 $0x88, s6;
	s7 =	simm.s32 @p2 $0x1082  }
0x22: {  	[simem:s7], [sflag:s8] =	dma.local @!p0 [hbm:s6], $0xF7A  }
0x23: {  	s9 =	sor.u32 $0xD0000000, s2;
	s6 =	simm.s32 $0x108;
	_ =	swait.ge @!p0 [sflag:s8], $0x0  }
0x24: {  	s3 =	sadd.s32 $0x88, s3;
	s6 =	simm.s32 @!p1 $0x1082;
	[sflag:s4] =	ssyncset.s32 $0xFFFFF086  }
0x25: {  	[simem:s6], [sflag:s4] =	dma.local [hbm:s3], $0xF7A  }
0x26: {  	[smem:$0x3F95] =	sst s1;
	(tag) =	ssettag s2;
	_ =	strace s9  }
0x27: {  	s1 =	sld [smem:$0x3FA5]  }
0x28: {  	s2 =	sld [smem:$0x3FA6]  }
0x29: {  	s4 =	sld [smem:$0x3FA8]  }
0x2a: {  	p0 =	seq.s32 s5, $0x0;
	s5 =	sld [smem:$0x3FA9]  }
0x2b: {  	s6 =	sld [smem:$0x3FAA]  }
0x2c: {  	s7 =	sld [smem:$0x3FAB]  }
0x2d: {  	s3 =	simm.s32 $0x108;
	s8 =	sld [smem:$0x3FAC]  }
0x2e: {  	s3 =	simm.s32 @!p0 $0x1082;
	s9 =	sld [smem:$0x3FAD]  }
0x2f: {  	lr =	sadd.s32 s0, s3;
	s0 =	sld [smem:$0x3FA4]  }
0x30: {  	s3 =	sld [smem:$0x3FA7]  }
0x31: {  	[smem:$0x3FB0] =	sst s10  }
0x32: {  	s10 =	sld [smem:$0x3FAE];
	_ =	sdelay $0x3  }
0x33: {  	p0 =	seq.s32 s10, $0x1;
	s10 =	sld [smem:$0x3FB0];
	_ =	sdelay $0x3  }
0x34: {  	[smem:$0x3FB0] =	sst s10  }
0x35: {  	s10 =	sld [smem:$0x3FAF];
	_ =	sdelay $0x3  }
0x36: {  	p1 =	seq.s32 s10, $0x1;
	s10 =	sld [smem:$0x3FB0];
	_ =	sdelay $0x3  }
0x37: {  	[smem:$0x3FB0] =	sst s10  }
0x38: {  	s10 =	sld [smem:$0x3FB1]  }
0x39: {  	_ = 	snop;
	(pc) =	sbr.ind lr, $3  }
0x3a: {  	_ = 	snop  }
0x3b: {  	_ = 	snop  }
0x3c: {  	p2 =	seq.s32 s10, $0x1;
	s10 =	sld [smem:$0x3FB0]  }
0x3d: {  	_ =	shalt  }
0x3e: {  	_ =	shalt  }
0x3f: {  	_ =	shalt  }
0x40: {  	_ =	shalt  }
0x41: {  	_ =	shalt  }
0x42: {  	_ =	shalt  }
0x43: {  	_ =	shalt  }
0x44: {  	_ =	shalt  }
0x45: {  	_ =	shalt  }
0x46: {  	_ =	shalt  }
0x47: {  	_ =	shalt  }
0x48: {  	_ =	shalt  }
0x49: {  	_ =	shalt  }
0x4a: {  	_ =	shalt  }
0x4b: {  	_ =	shalt  }
0x4c: {  	_ =	shalt  }
0x4d: {  	_ =	shalt  }
0x4e: {  	_ =	shalt  }
0x4f: {  	_ =	shalt  }
0x50: {  	_ =	shalt  }
0x51: {  	_ =	shalt  }
0x52: {  	_ =	shalt  }
0x53: {  	_ =	shalt  }
0x54: {  	_ =	shalt  }
0x55: {  	_ =	shalt  }
0x56: {  	_ =	shalt  }
0x57: {  	_ =	shalt  }
0x58: {  	_ =	shalt  }
0x59: {  	_ =	shalt  }
0x5a: {  	_ =	shalt  }
0x5b: {  	_ =	shalt  }
0x5c: {  	_ =	shalt  }
0x5d: {  	_ =	shalt  }
0x5e: {  	_ =	shalt  }
0x5f: {  	_ =	shalt  }
0x60: {  	_ =	shalt  }
0x61: {  	_ =	shalt  }
0x62: {  	_ =	shalt  }
0x63: {  	_ =	shalt  }
0x64: {  	_ =	shalt  }
0x65: {  	_ =	shalt  }
0x66: {  	_ =	shalt  }
0x67: {  	_ =	shalt  }
0x68: {  	_ =	shalt  }
0x69: {  	_ =	shalt  }
0x6a: {  	_ =	shalt  }
0x6b: {  	_ =	shalt  }
0x6c: {  	_ =	shalt  }
0x6d: {  	_ =	shalt  }
0x6e: {  	_ =	shalt  }
0x6f: {  	_ =	shalt  }
0x70: {  	_ =	shalt  }
0x71: {  	_ =	shalt  }
0x72: {  	_ =	shalt  }
0x73: {  	_ =	shalt  }
0x74: {  	_ =	shalt  }
0x75: {  	_ =	shalt  }
0x76: {  	_ =	shalt  }
0x77: {  	_ =	shalt  }
0x78: {  	_ =	shalt  }
0x79: {  	_ =	shalt  }
0x7a: {  	_ =	shalt  }
0x7b: {  	_ =	shalt  }
0x7c: {  	_ =	shalt  }
0x7d: {  	_ =	shalt  }
0x7e: {  	_ =	shalt  }
0x7f: {  	_ =	shalt  }
0x80: {  	_ =	shalt  }
0x81: {  	_ =	shalt  }
0x82: {  	_ =	shalt  }
0x83: {  	_ =	shalt  }
0x84: {  	_ =	shalt  }
0x85: {  	_ =	shalt  }
0x86: {  	_ =	shalt  }
0x87: {  	_ =	shalt  }
.Lfunc_end0:
.L_simem_size_0:
called_computation.1_lowered:
.L_overlay_start_0:
0x88: {  	s2 =	sld [smem:$0x3FD9]  }
0x89: {  	s3 =	sld [smem:$0x3FFE];
	_ =	sdelay $0x1  }
0x8a: {  	s1 =	srdreg.scid  }
0x8b: {  	s0 =	sand.u32 $0x1, s1  }
0x8c: {  	s17 =	sshll.u32 s0, $0xA;
	s2 =	sadd.s32 s3, s2  }
0x8d: {  	s2 =	sadd.s32 s2, s17  }
0x8e: {  	[smem:$0x3FBC] =	sst s2  }
0x8f: {  	_ = 	snop  }
0x90: {  	s18 =	sld [smem:$0x3FD0];
	(tm) =	ssettm $0x1  }
0x91: {  	s19 =	sld [smem:$0x3FFB];
	_ =	sdelay $0x3  }
0x92: {  	_ =	strace s19  }
0x93: {  	s2 =	sld [smem:$0x3FFC];
	_ =	sdelay $0x3  }
0x94: {  	_ =	strace s2  }
0x95: {  	s2 =	sld [smem:$0x3FFD];
	_ =	sdelay $0x3  }
0x96: {  	_ =	strace s2  }
0x97: {  	_ =	strace $0x8FFFFFFF  }
0x98: {  	s20 =	sld [smem:$0x3FDB];
	_ =	sdelay $0x1  }
0x99: {  	s4 =	simm.s32 $_scs_section_size  }
0x9a: {  	s5 =	simm.s32 $_size__tile_overlayer_lowered;
	s6 =	simm.s32 $_tile_overlayer_lowered  }
0x9b: {  	s7 =	simm.s32 $0x1BFF;
	s21 =	sshll.u32 s6, $0x1;
	s4 =	sadd.s32 s4, s20  }
0x9c: {  	s22 =	simm.s32 $0x0;
	s5 =	sshll.u32 s5, $0x1;
	s6 =	sadd.s32 s21, s4  }
0x9d: {  	[timem:s22], [sflag:s7] =	dma.local [hbm:s6], s5  }
0x9e: {  	_ =	swait.ge [sflag:s7], s5  }
0x9f: {  	s5 =	ssub.s32 $0x0, s5;
	[sflag:s7] =	ssyncset.done $0x0  }
0xa0: {  	[sflag:s7] =	ssyncadd.s32 s5;
	_ =	sdelay $0x1  }
0xa1: {  	s23 =	simm.s32 $0x1B8B  }
0xa2: {  	_ =	swait.ge [sflag:s23], $0x1  }
0xa3: {  	[sflag:s23] =	ssyncset.done $0x0  }
0xa4: {  	[sflag:s23] =	ssyncadd.s32 $0xFFFFFFFF  }
0xa5: {  	s5 =	sld [smem:$0x0]  }
0xa6: {  	s6 =	sand.u32 $0xFFFFFFFE, s1  }
0xa7: {  	p0 =	sne.s32 s1, s6  }
0xa8: {  	s6 =	sshll.u32 @p0 s6, $0xE  }
0xa9: {  	s6 =	sadd.s32 @p0 $0x11B8D, s6;
	s7 =	sshll.u32 @p0 s5, $0x11  }
0xaa: {  	s6 =	sor.u32 @p0 s7, s6  }
0xab: {  	[sflag:s6] =	ssyncadd.remote.s32 @p0 $0x1;
	_ =	sdelay $0x1  }
0xac: {  	s6 =	simm.s32 @p0 $0x1B8D  }
0xad: {  	_ =	swait.eq @p0 [sflag:s6], $0x1  }
0xae: {  	[sflag:s6] =	ssyncadd.s32 @p0 $0xFFFFFFFF  }
0xaf: {  	s7 =	sshll.u32 @!p0 s1, $0xE  }
0xb0: {  	s7 =	sor.u32 @!p0 $0x4000, s7;
	s6 =	simm.s32 @!p0 $0x1B8D  }
0xb1: {  	s5 =	sshll.u32 @!p0 s5, $0x11;
	s7 =	sadd.s32 @!p0 $0x11B8D, s7;
	_ =	swait.eq @!p0 [sflag:s6], $0x1  }
0xb2: {  	s5 =	sor.u32 @!p0 s5, s7;
	[sflag:s6] =	ssyncadd.s32 @!p0 $0xFFFFFFFF  }
0xb3: {  	s25 =	simm.s32 $0x1B8E;
	s24 =	sld [smem:$0x3FFE];
	[sflag:s5] =	ssyncadd.remote.s32 @!p0 $0x1  }
0xb4: {  	s26 =	simm.s32 $execute0_lowered;
	[smem:$0x3FD2] =	sst s25  }
0xb5: {  	s6 =	sshll.u32 s26, $0x1;
	_ =	strace $0x8000004C;
	[dreg:$0x1] =	wrdreg $0xFFFFFFFF  }
0xb6: {  	s28 =	simm.s32 $_size_execute0_lowered;
	s4 =	sadd.s32 s4, s6;
	[dreg:$0x0] =	wrdreg $0x0  }
0xb7: {  	s6 =	sshll.u32 s28, $0x1;
	[dreg:$0x2] =	wrdreg s4  }
0xb8: {  	[dreg:$0x3] =	wrdreg s6  }
0xb9: {  	[dreg:$0x4] =	wrdreg $0xC0  }
0xba: {  	_ =	task [dreg:s22], $0x5FFFF  }
0xbb: {  	[dreg:$0x1] =	wrdreg $0xFFFFFFFF  }
0xbc: {  	[dreg:$0x0] =	wrdreg $0x60  }
0xbd: {  	[dreg:$0x2] =	wrdreg s24  }
0xbe: {  	[dreg:$0x3] =	wrdreg s18  }
0xbf: {  	[dreg:$0x4] =	wrdreg $0x9  }
0xc0: {  	_ =	task.clear_ibuf [dreg:s22], $0x5FFFF;
	_ =	strace $0x9000004C  }
0xc1: {  	s29 =	simm.s32 $0x9;
	_ =	strace $0x8000004E  }
0xc2: {  	_ =	swait.ge [sflag:s29], $0x1  }
0xc3: {  	[sflag:s29] =	ssyncadd.s32 $0xFFFFFFFF  }
0xc4: {  	_ =	strace $0x9000004E  }
0xc5: {  	_ =	sfence  }
0xc6: {  	s30 =	sld [smem:$0x0];
	_ =	sdelay $0x2  }
0xc7: {  	s31 =	sshll.u32 s1, $0xD;
	s1 =	sshrl.u32 s1, $0x2  }
0xc8: {  	s4 =	sand.u32 $0x4000, s31;
	s1 =	sadd.s32 s1, s30  }
0xc9: {  	s0 =	sor.u32 s4, s0;
	s1 =	sshll.u32 s1, $0x11  }
0xca: {  	s0 =	sor.u32 s1, s0  }
0xcb: {  	s0 =	sadd.s32 $0x8F2B, s0  }
0xcc: {  	[sflag:s0] =	ssyncadd.remote.s32 $0x1  }
0xcd: {  	_ =	sfence.sel $0xFFFF  }
0xce: {  	[dreg:$0x0] =	wrdreg $0xFFFFFFFF;
	(pc) =	sbr.abs _section_cstart, $3  }
0xcf: {  	[dreg:$0x1] =	wrdreg $0xFFFFFFFF  }
0xd0: {  	_ =	task.clear_ibuf [dreg:s22], $0x2FFFF;
	_ =	strace $0x9FFFFFFF  }
0xd1: {  	(tm) =	ssettm $0x7FFFFFFF  }
tec
execute0_lowered:
.L_overlay_start_1:
0x0: {  	(tag) =	ssettag $0x1  }
0x1: {  	s7 =	rddreg [dreg:$0x0]  }
0x2: {  	s2 =	rddreg [dreg:$0x1]  }
0x3: {  	s0 =	rddreg [dreg:$0x2]  }
0x4: {  	s1 =	srdreg.scid;
	_ =	strace $0x8000004D;
	s4 =	simm.s32 $0x1  }
0x5: {  	s9 =	simm.s32 $0x3;
	s11 =	simm.s32 $0x0;
	s5 =	sshll.u32 s1, $0x4  }
.Ltmp0:
0x6: {  	s1 =	stileid.u32;
	s5 =	sand.u32 $0x10, s5;
	(pc) =	sbr.rel .LBB2_1-.Ltmp0, $4  }
0x7: {  	p0 =	por $0x0, $0x0;
	s3 =	sadd.s32 $0x400000, s7;
	s6 =	sor.u32 s1, s5  }
0x8: {  	[sflag:s4] =	ssyncpa.u1 $0x0;
	s5 =	simm.s32 $0x2;
	s6 =	sshll.u32 s6, $0xC  }
0x9: {  	s7 =	sadd.s32 $0x600000, s7;
	[sflag:s5] =	ssyncpa.u1 $0x0;
	s8 =	sadd.s32 $0x1000, s6  }
0xa: {  	vm0 =	vmmov $0xff;
	vm1 =	vcmask $0x3F20;
	[sflag:s9] =	ssyncpa.u1 $0x0;
	s10 =	smov.u32 s6;
	s9 =	simm.s32 $0x0  }
.LBB2_7:
0xb: {  	p1 =	slt.u32 s9, $0x2;
	s11 =	sadd.s32 $0x100, s10  }
0xc: {  	s13 =	smov.u32 s6;
	s9 =	sadd.s32 $0x1, s9;
	p2 =	slt.s32 s11, s8  }
0xd: {  	s13 =	smov.u32 @p2 s11;
	p2 =	sne.s32 s9, $0x12  }
.Ltmp1:
0xe: {  	_ = 	snop;
	(pc) =	sbr.rel @!p2 .LBB2_8-.Ltmp1, $4  }
0xf: {  	s12 =	simm.s32 @!p1 $0x3  }
0x10: {  	_ =	swait.ge @!p1 [sflag:s12], $0x8000  }
0x11: {  	p0 =	por !p0, !p0;
	[sflag:s12] =	ssyncset.done @!p1 $0x0  }
0x12: {  	s11 =	smov.u32 s10;
	s10 =	smov.u32 s13;
	[sflag:s12] =	ssyncadd.s32 @!p1 $0xFFFF8000  }
.LBB2_1:
0x13: {  	p1 =	sgt.u32 s9, $0xF  }
0x14: {  	s12 =	sxor.u32 @!p1 $0xFFFFFFFF, s9  }
0x15: {  	s13 =	sshrl.u32 @!p1 s10, $0x3;
	s12 =	sshll.u32 @!p1 s12, $0x8  }
0x16: {  	s14 =	sand.u32 @!p1 $0x7, s10;
	s13 =	sadd.s32 @!p1 s2, s13;
	s12 =	sand.u32 @!p1 $0x100, s12  }
0x17: {  	[tilespmem:s12], [sflag:$0x2] =	stream.linear.gather @!p1 [hbm4b:s13+s14], $0x100, $0x38;
	[tilespmem:$0x10200] =	vst v63  }
0x18: {  	p1 =	seq.s32 s9, $0x0  }
0x19: {  	p2 =	seq.s32 @!p1 s9, $0x11  }
0x1a: {  	p1 =	por p1, p2  }
.Ltmp2:
0x1b: {  	_ = 	snop;
	(pc) =	sbr.rel @p1 .LBB2_7-.Ltmp2, $1  }
0x1c: {  	_ =	sdelay $0x3  }
0x1d: {  	s12 =	simm.s32 $0x1  }
0x1e: {  	_ =	swait.ge [sflag:s5], $0x100;
	s12 =	simm.s32 @!p0 $0x0  }
0x1f: {  	[sflag:s5] =	ssyncset.done $0x0;
	s14 =	sshll.u32 s12, $0x8  }
0x20: {  	[sflag:s5] =	ssyncadd.s32 $0xFFFFFF00;
	s13 =	sadd.s32 $0x0, s14  }
0x21: {  	v0 =	vld.msk [tilespmem:s13+$0x0 ss:$0x1], $0xffff;
	_ =	sdelay $0x4  }
0x22: {  	v1 =	vshll.u32 v0, $0x3  }
0x23: {  	vm2 =	veq.s32 v0, $0x80000000;
	v0 =	vshll.u32 v0, $0x14;
	v1 =	vand.u32 $0xFFF80, v1  }
0x24: {  	v0 =	vand.u32 $0xF00000, v0;
	v1 =	vsel vm2, $0xFFFFFF80, v1  }
0x25: {  	v0 =	vsel vm2, $0xFFF00000, v0;
	v2 =	vand.u32 $0xFFFFFC00, v1  }
0x26: {  	v1 =	vand.u32 $0x380, v1;
	v0 =	vadd.s32 v0, v2  }
0x27: {  	v0 =	vor.u32 v1, v0  }
0x28: {  	v0 =	vshrl.u32 v0, $0x3;
	_ =	sdelay $0x2  }
0x29: {  	s12 =	sshll.u32 s12, $0xF  }
0x2a: {  	s12 =	sor.u32 $0x200, s12  }
0x2b: {  	[tilespmem:s12], [sflag:$0x1] =	stream.indirect_vreg.gather [hbm:s3], $0x80, v0, vm0, $0x38;
	[tilespmem:$0x10200] =	vst v63  }
0x2c: {  	s15 =	sadd.s32 $0x10, s14;
	s13 =	sadd.s32 $0x400, s12  }
0x2d: {  	[tilespmem:s13], [sflag:$0x1] =	stream.indirect_vreg.gather [hbm:s3], $0x80, v0, vm1, $0x38;
	[tilespmem:$0x10200] =	vst v63  }
0x2e: {  	s16 =	simm.s32 $0x80;
	v0 =	vld.msk [tilespmem:s15+$0x0 ss:$0x1], $0xffff;
	s15 =	smov.u32 s12  }
.LBB2_3:
0x2f: {  	p1 =	sne.s32 s16, $0x3C0;
	_ =	sdelay $0x4  }
0x30: {  	v1 =	vshll.u32 v0, $0x3  }
0x31: {  	vm2 =	veq.s32 v0, $0x80000000;
	v0 =	vshll.u32 v0, $0x14;
	v1 =	vand.u32 $0xFFF80, v1  }
0x32: {  	v0 =	vand.u32 $0xF00000, v0;
	v1 =	vsel vm2, $0xFFFFFF80, v1  }
0x33: {  	v0 =	vsel vm2, $0xFFF00000, v0;
	v2 =	vand.u32 $0xFFFFFC00, v1  }
0x34: {  	v1 =	vand.u32 $0x380, v1;
	v0 =	vadd.s32 v0, v2  }
0x35: {  	v0 =	vor.u32 v1, v0  }
0x36: {  	v0 =	vshrl.u32 v0, $0x3;
	_ =	sdelay $0x3  }
.Ltmp3:
0x37: {  	s17 =	sshra.s32 s16, $0x2;
	s15 =	sadd.s32 $0x800, s15;
	(pc) =	sbr.rel @p1 .LBB2_3-.Ltmp3, $4  }
0x38: {  	[tilespmem:s15], [sflag:$0x1] =	stream.indirect_vreg.gather [hbm:s3], $0x80, v0, vm0, $0x38;
	[tilespmem:$0x10200] =	vst v63  }
0x39: {  	s17 =	sadd.s32 s17, s14;
	s18 =	sadd.s32 $0x400, s15  }
0x3a: {  	[tilespmem:s18], [sflag:$0x1] =	stream.indirect_vreg.gather [hbm:s3], $0x80, v0, vm1, $0x38;
	[tilespmem:$0x10200] =	vst v63  }
0x3b: {  	s16 =	sadd.s32 $0x40, s16;
	v0 =	vld.msk [tilespmem:s17+$0x0 ss:$0x1], $0xffff  }
0x3c: {  	_ =	sdelay $0x3  }
0x3d: {  	v1 =	vshll.u32 v0, $0x3  }
0x3e: {  	vm2 =	veq.s32 v0, $0x80000000;
	v63 =	vshll.u32 v0, $0x14;
	v1 =	vand.u32 $0xFFF80, v1  }
0x3f: {  	v0 =	vand.u32 $0xF00000, v63;
	v1 =	vsel vm2, $0xFFFFFF80, v1  }
0x40: {  	v0 =	vsel vm2, $0xFFF00000, v0;
	v2 =	vand.u32 $0xFFFFFC00, v1  }
0x41: {  	v1 =	vand.u32 $0x380, v1;
	v0 =	vadd.s32 v0, v2  }
0x42: {  	v0 =	vor.u32 v1, v0  }
0x43: {  	v0 =	vshrl.u32 v0, $0x3;
	_ =	sdelay $0x3  }
0x44: {  	s14 =	sadd.s32 $0x800, s15  }
0x45: {  	[tilespmem:s14], [sflag:$0x1] =	stream.indirect_vreg.gather [hbm:s3], $0x80, v0, vm0, $0x38;
	[tilespmem:$0x10200] =	vst v63  }
0x46: {  	s14 =	sadd.s32 $0x400, s14  }
0x47: {  	[tilespmem:s14], [sflag:$0x1] =	stream.indirect_vreg.gather [hbm:s3], $0x80, v0, vm1, $0x38;
	[tilespmem:$0x10200] =	vst v63  }
0x48: {  	s11 =	sshll.u32 s11, $0x4;
	_ =	swait.ge [sflag:s4], $0x8000  }
0x49: {  	s11 =	sadd.s32 s11, s7;
	[sflag:s4] =	ssyncset.done $0x0  }
0x4a: {  	s15 =	sadd.s32 $0x0, s11;
	s14 =	simm.s32 $0x80;
	[sflag:s4] =	ssyncadd.s32 $0xFFFF8000  }
.LBB2_5:
0x4b: {  	[hbm:s15] =	stream.linear.scatter [tilespmem:s12], [sflag:$0x3], $0x400, $0x38;
	[tilespmem:$0x10200] =	vst v63  }
0x4c: {  	s15 =	smov.u32 s14;
	s12 =	smov.u32 s13;
	p1 =	sne.s32 s14, $0xF80  }
.Ltmp4:
0x4d: {  	s14 =	sadd.s32 $0x80, s14;
	(pc) =	sbr.rel @p1 .LBB2_5-.Ltmp4, $2  }
0x4e: {  	_ =	sdelay $0x2  }
0x4f: {  	s13 =	sadd.s32 $0x400, s13;
	s15 =	sadd.s32 s15, s11  }
.Ltmp5:
0x50: {  	(pc) =	sbr.rel .LBB2_7-.Ltmp5, $2  }
0x51: {  	_ =	sdelay $0x2  }
0x52: {  	[hbm:s15] =	stream.linear.scatter [tilespmem:s12], [sflag:$0x3], $0x400, $0x38;
	[tilespmem:$0x10200] =	vst v63  }
.LBB2_8:
0x53: {  	_ =	sfence.sel $0x180000  }
0x54: {  	s2 =	simm.s32 $0x2;
	[bflag:$0x0] =	sbarrier.arrive $0xFFFF  }
0x55: {  	s30 =	simm.s32 $0x3;
	[sflag:s2] =	ssyncpa.u1 $0x1  }
0x56: {  	s31 =	simm.s32 $0x1;
	[sflag:s30] =	ssyncpa.u1 $0x1  }
0x57: {  	[sflag:s31] =	ssyncpa.u1 $0x1  }
0x58: {  	p0 =	sne.s32 s1, $0x0;
	_ =	strace $0x9000004D  }
0x59: {  	s0 =	sadd.s32 @!p0 $0x100000, s0;
	[bflag:$0x2] =	sbarrier.arrive $0xFFFF  }
0x5a: {  	[sflag:s0] =	ssyncadd.tile.s32 @!p0 $0x1;
	_ =	shalt  }
.Lfunc_end2:
_tile_overlayer_lowered:
.L_overlay_start_2:
0x5b: {  	(tag) =	ssettag $0x2  }
0x5c: {  	s0 =	rddreg [dreg:$0x0];
	s2 =	stileid.u32  }
0x5d: {  	s1 =	rddreg [dreg:$0x1];
	p0 =	sne.s32 s2, $0x0  }
0x5e: {  	s3 =	rddreg [dreg:$0x2];
	[bflag:$0x3] =	sbarrier.arrive $0xFFFF;
	s2 =	simm.s32 @!p0 $0x1C01  }
0x5f: {  	[timem:s3], [sflag:s2] =	dma.local @!p0 [hbm:s0], s1  }
0x60: {  	s0 =	simm.s32 @!p0 $0x1  }
0x61: {  	_ =	swait.ge @!p0 [sflag:s0], s1  }
0x62: {  	s1 =	ssub.s32 @!p0 $0x0, s1;
	[sflag:s0] =	ssyncset.done @!p0 $0x0  }
0x63: {  	[sflag:s0] =	ssyncadd.s32 @!p0 s1  }
0x64: {  	[bflag:$0x3] =	sbarrier.arrive $0xFFFF  }
0x65: {  	_ =	shalt  }

// kernel: sparse-core-data-format-call.cloned.1.call-start
scs
called_computation_lowered:
.L_overlay_start_0:
0x0: {  	s1 =	sld [smem:$0x3FD9]  }
0x1: {  	s2 =	sld [smem:$0x3FFE];
	_ =	sdelay $0x1  }
0x2: {  	s3 =	srdreg.scid  }
0x3: {  	s0 =	sand.u32 $0x1, s3  }
0x4: {  	s17 =	sshll.u32 s0, $0xA;
	s1 =	sadd.s32 s2, s1  }
0x5: {  	s1 =	sadd.s32 s1, s17  }
0x6: {  	[smem:$0x3FBC] =	sst s1  }
0x7: {  	_ = 	snop  }
0x8: {  	(tm) =	ssettm $0x1  }
0x9: {  	s18 =	sld [smem:$0x3FFB];
	_ =	sdelay $0x3  }
0xa: {  	_ =	strace s18  }
0xb: {  	s1 =	sld [smem:$0x3FFC];
	_ =	sdelay $0x3  }
0xc: {  	_ =	strace s1  }
0xd: {  	s1 =	sld [smem:$0x3FFD];
	_ =	sdelay $0x3  }
0xe: {  	_ =	strace s1  }
0xf: {  	_ =	strace $0x8FFFFFFF  }
0x10: {  	s19 =	sld [smem:$0x3FDB];
	_ =	sdelay $0x1  }
0x11: {  	s20 =	simm.s32 $_scs_section_size  }
0x12: {  	s4 =	simm.s32 $_size__tile_overlayer_lowered;
	s5 =	simm.s32 $_tile_overlayer_lowered  }
0x13: {  	s23 =	simm.s32 $0x1BFF;
	s22 =	sshll.u32 s5, $0x1;
	s1 =	sadd.s32 s20, s19  }
0x14: {  	s6 =	simm.s32 $0x0;
	s21 =	sshll.u32 s4, $0x1;
	s4 =	sadd.s32 s22, s1  }
0x15: {  	[timem:s6], [sflag:s23] =	dma.local [hbm:s4], s21  }
0x16: {  	_ =	swait.ge [sflag:s23], s21  }
0x17: {  	s2 =	ssub.s32 $0x0, s21;
	[sflag:s23] =	ssyncset.done $0x0  }
0x18: {  	[sflag:s23] =	ssyncadd.s32 s2;
	_ =	sdelay $0x1  }
0x19: {  	s24 =	simm.s32 $0x1B8B  }
0x1a: {  	_ =	swait.ge [sflag:s24], $0x1  }
0x1b: {  	[sflag:s24] =	ssyncset.done $0x0  }
0x1c: {  	s26 =	simm.s32 $0x1B8E;
	s25 =	sld [smem:$0x3FFE];
	[sflag:s24] =	ssyncadd.s32 $0xFFFFFFFF  }
0x1d: {  	s27 =	simm.s32 $execute0_lowered;
	[smem:$0x3FD2] =	sst s26  }
0x1e: {  	s4 =	sshll.u32 s27, $0x1;
	_ =	strace $0x80000046;
	[dreg:$0x1] =	wrdreg $0xFFFFFFFF  }
0x1f: {  	s28 =	simm.s32 $_size_execute0_lowered;
	s1 =	sadd.s32 s1, s4;
	[dreg:$0x0] =	wrdreg $0x0  }
0x20: {  	s4 =	sshll.u32 s28, $0x1;
	[dreg:$0x2] =	wrdreg s1  }
0x21: {  	[dreg:$0x3] =	wrdreg s4  }
0x22: {  	[dreg:$0x4] =	wrdreg $0xC0  }
0x23: {  	_ =	task [dreg:s6], $0x5FFFF  }
0x24: {  	[dreg:$0x1] =	wrdreg $0xFFFFFFFF  }
0x25: {  	[dreg:$0x0] =	wrdreg $0x60  }
0x26: {  	[dreg:$0x2] =	wrdreg s25  }
0x27: {  	[dreg:$0x3] =	wrdreg $0x9  }
0x28: {  	_ =	task.clear_ibuf [dreg:s6], $0x4FFFF;
	_ =	strace $0x90000046  }
0x29: {  	s29 =	simm.s32 $0x9;
	_ =	strace $0x80000048  }
0x2a: {  	_ =	swait.ge [sflag:s29], $0x1  }
0x2b: {  	[sflag:s29] =	ssyncadd.s32 $0xFFFFFFFF  }
0x2c: {  	_ =	strace $0x90000048  }
0x2d: {  	_ =	sfence  }
0x2e: {  	s30 =	sld [smem:$0x0];
	_ =	sdelay $0x2  }
0x2f: {  	s31 =	sshll.u32 s3, $0xD;
	s3 =	sshrl.u32 s3, $0x2  }
0x30: {  	s2 =	sand.u32 $0x4000, s31;
	s1 =	sadd.s32 s3, s30  }
0x31: {  	s0 =	sor.u32 s2, s0;
	s1 =	sshll.u32 s1, $0x11  }
0x32: {  	s0 =	sor.u32 s1, s0  }
0x33: {  	s0 =	sadd.s32 $0x8F2B, s0  }
0x34: {  	[sflag:s0] =	ssyncadd.remote.s32 $0x1  }
0x35: {  	_ =	sfence.sel $0xFFFF  }
0x36: {  	[dreg:$0x0] =	wrdreg $0xFFFFFFFF;
	(pc) =	sbr.abs _section_cstart, $3  }
0x37: {  	[dreg:$0x1] =	wrdreg $0xFFFFFFFF  }
0x38: {  	_ =	task.clear_ibuf [dreg:s6], $0x2FFFF;
	_ =	strace $0x9FFFFFFF  }
0x39: {  	(tm) =	ssettm $0x7FFFFFFF  }
tec
execute0_lowered:
.L_overlay_start_1:
0x0: {  	(tag) =	ssettag $0x1  }
0x1: {  	s0 =	srdreg.scid;
	s3 =	rddreg [dreg:$0x0];
	s5 =	simm.s32 $0x1  }
0x2: {  	s7 =	simm.s32 $0x2;
	s15 =	simm.s32 $0x0;
	p0 =	por $0x0, $0x0  }
0x3: {  	s8 =	simm.s32 $0x1000;
	s13 =	simm.s32 $0x0;
	s1 =	sshll.u32 s0, $0x7  }
0x4: {  	s14 =	simm.s32 $0x0;
	s9 =	simm.s32 $0x0;
	s1 =	sand.u32 $0x80, s1  }
0x5: {  	s0 =	rddreg [dreg:$0x1];
	_ =	strace $0x80000047;
	s6 =	ssub.s32 $0x200, s1  }
.Ltmp0:
0x6: {  	s2 =	sadd.s32 $0x200000, s3;
	s31 =	sshrl.u32 s6, $0x7;
	(pc) =	sbr.rel .LBB1_1-.Ltmp0, $4  }
0x7: {  	s4 =	sadd.s32 $0xA00000, s3;
	s6 =	sshrl.u32 s6, $0x8;
	s3 =	sand.u32 $0x1, s31  }
0x8: {  	s11 =	stileid.u32;
	[sflag:s5] =	ssyncpa.u1 $0x0;
	s6 =	sadd.s32 s6, s3  }
0x9: {  	s12 =	simm.s32 $0x0;
	[sflag:s7] =	ssyncpa.u1 $0x0;
	s6 =	sshll.u32 s6, $0x6  }
0xa: {  	s10 =	smov.u32 s1;
	s3 =	stileid.u32;
	s7 =	sor.u32 $0x1, s6  }
.LBB1_4:
0xb: {  	v5 =	vld [tilespmem:s18+$0xFFFFFFD0]  }
0xc: {  	[tilespmem:s19+$0x2040 ss:$0x81] =	vst.msk $0xffff, v1;
	v58 =	vld [tilespmem:s18+$0xFFFFFFE0]  }
0xd: {  	[tilespmem:s19+$0x2850 ss:$0x81] =	vst.msk $0xffff, v2;
	v59 =	vld [tilespmem:s18+$0xFFFFFFF0]  }
0xe: {  	s20 =	sshra.s32 s20, $0x2;
	[tilespmem:s19+$0x3060 ss:$0x81] =	vst.msk $0xffff, v3;
	v60 =	vld [tilespmem:s18+$0x0]  }
0xf: {  	[tilespmem:s19+$0x0 ss:$0x81] =	vst.msk $0xffff, v0;
	v61 =	vld [tilespmem:s18+$0x10];
	s17 =	sadd.s32 s20, s17  }
0x10: {  	s25 =	sshll.u32 s15, $0x9;
	v62 =	vld [tilespmem:s18+$0x20];
	[tilespmem:s17+$0x3870 ss:$0x81] =	vst.msk $0xffff, v4  }
0x11: {  	s26 =	sshll.u32 s13, $0x3;
	s27 =	sshll.u32 s15, $0x7;
	v63 =	vld [tilespmem:s18+$0xFFFFFFC0];
	s30 =	sand.u32 $0x78, s13;
	[tilespmem:s17+$0x810 ss:$0x81] =	vst.msk $0xffff, v5  }
0x12: {  	s14 =	sshll.u32 s14, $0x13;
	s19 =	sand.u32 $0x3FF000, s25;
	s20 =	sand.u32 $0x3FFC00, s26;
	[tilespmem:s17+$0x1020 ss:$0x81] =	vst.msk $0xffff, v58  }
0x13: {  	s29 =	sand.u32 $0x200, s27;
	s15 =	sand.u32 $0x180, s27;
	s28 =	sadd.s32 s20, s19;
	[tilespmem:s17+$0x1830 ss:$0x81] =	vst.msk $0xffff, v59  }
0x14: {  	s31 =	sand.u32 $0x7, s13;
	s15 =	sor.u32 s30, s15;
	s18 =	sor.u32 s29, s28;
	[tilespmem:s17+$0x2040 ss:$0x81] =	vst.msk $0xffff, v60  }
0x15: {  	s14 =	sadd.s32 s4, s14;
	s15 =	sshrl.u32 s15, $0x3;
	s18 =	sshrl.u32 s18, $0x3;
	[tilespmem:s17+$0x2850 ss:$0x81] =	vst.msk $0xffff, v61  }
0x16: {  	s13 =	sshll.u32 s31, $0x12;
	s14 =	sadd.s32 s15, s14;
	[tilespmem:s17+$0x3060 ss:$0x81] =	vst.msk $0xffff, v62;
	s18 =	sand.u32 $0x7FFC0, s18  }
0x17: {  	s13 =	sor.u32 $0x400, s13;
	[tilespmem:s17+$0x0 ss:$0x81] =	vst.msk $0xffff, v63;
	s14 =	sadd.s32 s18, s14  }
0x18: {  	[hbm4b:s14+s13] =	stream.strided.scatter [tilespmem:s16], [sflag:$0x2], $0x4000, s8, s13, $0x20;
	[tilespmem:$0x10100] =	vst v63  }
.LBB1_5:
0x19: {  	s16 =	sadd.s32 $0x80, s9  }
0x1a: {  	s13 =	sadd.s32 $0x100, s10;
	s17 =	smov.u32 s10;
	p2 =	sgt.s32 s16, $0x1FFF  }
0x1b: {  	s17 =	smov.u32 @p2 s13  }
0x1c: {  	s19 =	smov.u32 s11;
	s13 =	sadd.s32 $0x10, s11;
	p3 =	sgt.s32 s17, $0x1FF  }
0x1d: {  	s19 =	smov.u32 @p3 s13  }
0x1e: {  	s16 =	simm.s32 @p2 $0x0;
	p2 =	sgt.s32 s19, $0xF  }
0x1f: {  	p1 =	slt.u32 s12, $0x2;
	s19 =	smov.u32 @p2 s3;
	p2 =	sne.s32 s12, s7  }
.Ltmp1:
0x20: {  	s18 =	simm.s32 @!p1 $0x2;
	(pc) =	sbr.rel @!p2 .LBB1_6-.Ltmp1, $4  }
0x21: {  	s15 =	smov.u32 s9;
	s14 =	smov.u32 s11;
	_ =	swait.ge @!p1 [sflag:s18], $0x4000  }
0x22: {  	p0 =	por !p0, !p0;
	[sflag:s18] =	ssyncset.done @!p1 $0x0;
	s9 =	smov.u32 s16  }
0x23: {  	s17 =	smov.u32 @p3 s1;
	s13 =	smov.u32 s10;
	[sflag:s18] =	ssyncadd.s32 @!p1 $0xFFFFC000  }
0x24: {  	s10 =	smov.u32 s17;
	s12 =	sadd.s32 $0x1, s12;
	s11 =	smov.u32 s19  }
.LBB1_1:
0x25: {  	p1 =	sge.u32 s12, s6;
	s31 =	sadd.s32 $0xFFFFFFFF, s12  }
0x26: {  	s16 =	sxor.u32 @!p1 $0xFFFFFFFF, s12;
	s17 =	sand.u32 @!p1 $0x78, s9;
	s18 =	sshll.u32 @!p1 s10, $0xD  }
0x27: {  	s19 =	sshll.u32 @!p1 s10, $0x7;
	s20 =	sshll.u32 @!p1 s9, $0x3;
	s16 =	sshll.u32 @!p1 s16, $0xE  }
0x28: {  	s18 =	sand.u32 @!p1 $0x3F0000, s18;
	s19 =	sand.u32 @!p1 $0x380, s19;
	s16 =	sand.u32 @!p1 $0x4000, s16  }
0x29: {  	s18 =	sadd.s32 @!p1 s18, s20;
	s20 =	sand.u32 @!p1 $0x1C00, s20;
	s17 =	sor.u32 @!p1 s19, s17  }
0x2a: {  	s19 =	sshll.u32 @!p1 s11, $0x13;
	s17 =	sor.u32 @!p1 s20, s17;
	s18 =	sshrl.u32 @!p1 s18, $0x3  }
0x2b: {  	s19 =	sadd.s32 @!p1 s2, s19;
	s20 =	sand.u32 @!p1 $0x7, s9;
	s18 =	sand.u32 @!p1 $0x7FC00, s18  }
0x2c: {  	s17 =	sshrl.u32 @!p1 s17, $0x3;
	s18 =	sadd.s32 @!p1 s18, s19;
	s19 =	sshll.u32 @!p1 s20, $0x12  }
0x2d: {  	s17 =	sadd.s32 @!p1 s17, s18;
	s18 =	sor.u32 @!p1 $0x400, s19;
	s19 =	simm.s32 @!p1 $0x10000  }
0x2e: {  	[tilespmem:s16], [sflag:$0x1] =	stream.strided.gather @!p1 [hbm4b:s17+s18], $0x4000, s19, s18, $0x38;
	[tilespmem:$0x10100] =	vst v63  }
0x2f: {  	p1 =	sge.u32 s31, s6  }
.Ltmp2:
0x30: {  	_ = 	snop;
	(pc) =	sbr.rel @p1 .LBB1_5-.Ltmp2, $1  }
0x31: {  	_ =	sdelay $0x3  }
0x32: {  	s16 =	simm.s32 $0x1  }
0x33: {  	_ =	swait.ge [sflag:s5], $0x4000;
	s16 =	simm.s32 @!p0 $0x0  }
0x34: {  	[sflag:s5] =	ssyncset.done $0x0;
	s17 =	sshll.u32 s16, $0xE  }
0x35: {  	[sflag:s5] =	ssyncadd.s32 $0xFFFFC000;
	s18 =	sor.u32 $0x40, s17  }
0x36: {  	s16 =	smul.u32 $0x10200, s16;
	v0 =	vld [tilespmem:s18+$0x30]  }
0x37: {  	v3 =	vld [tilespmem:s18+$0xFFFFFFD0]  }
0x38: {  	s16 =	sshrl.u32 s16, $0x2;
	v4 =	vld [tilespmem:s18+$0xFFFFFFE0]  }
0x39: {  	v5 =	vld [tilespmem:s18+$0xFFFFFFF0];
	s17 =	sor.u32 $0x8000, s16  }
0x3a: {  	s31 =	sand.u32 $0x1, s12;
	v1 =	vld [tilespmem:s18+$0x0];
	s19 =	sadd.s32 $0x0, s17  }
0x3b: {  	v2 =	vld [tilespmem:s18+$0x10];
	s16 =	smul.u32 $0x10200, s31;
	[tilespmem:s19+$0x3870 ss:$0x81] =	vst.msk $0xffff, v0  }
0x3c: {  	[tilespmem:s19+$0x810 ss:$0x81] =	vst.msk $0xffff, v3;
	v3 =	vld [tilespmem:s18+$0x20]  }
0x3d: {  	s16 =	sshrl.u32 s16, $0x2;
	v0 =	vld [tilespmem:s18+$0xFFFFFFC0];
	[tilespmem:s19+$0x1020 ss:$0x81] =	vst.msk $0xffff, v4;
	s18 =	sadd.s32 $0x80, s18  }
0x3e: {  	s20 =	simm.s32 $0x4;
	s21 =	simm.s32 $0x8;
	s16 =	sor.u32 $0x8000, s16;
	[tilespmem:s19+$0x1830 ss:$0x81] =	vst.msk $0xffff, v5;
	v4 =	vld [tilespmem:s18+$0x30]  }
.LBB1_3:
0x3f: {  	p1 =	sne.s32 s21, $0x1FC;
	v5 =	vld [tilespmem:s18+$0xFFFFFFD0];
	[tilespmem:s19+$0x2040 ss:$0x81] =	vst.msk $0xffff, v1  }
0x40: {  	v6 =	vld [tilespmem:s18+$0xFFFFFFE0];
	[tilespmem:s19+$0x2850 ss:$0x81] =	vst.msk $0xffff, v2  }
0x41: {  	s22 =	sshra.s32 s20, $0x2;
	s20 =	smov.u32 s21;
	v7 =	vld [tilespmem:s18+$0xFFFFFFF0];
	[tilespmem:s19+$0x3060 ss:$0x81] =	vst.msk $0xffff, v3  }
.Ltmp3:
0x42: {  	v1 =	vld [tilespmem:s18+$0x0];
	[tilespmem:s19+$0x0 ss:$0x81] =	vst.msk $0xffff, v0;
	s19 =	sadd.s32 s22, s17;
	(pc) =	sbr.rel @p1 .LBB1_3-.Ltmp3, $4  }
0x43: {  	v2 =	vld [tilespmem:s18+$0x10];
	[tilespmem:s19+$0x3870 ss:$0x81] =	vst.msk $0xffff, v4  }
0x44: {  	[tilespmem:s19+$0x810 ss:$0x81] =	vst.msk $0xffff, v5;
	v3 =	vld [tilespmem:s18+$0x20]  }
0x45: {  	v0 =	vld [tilespmem:s18+$0xFFFFFFC0];
	[tilespmem:s19+$0x1020 ss:$0x81] =	vst.msk $0xffff, v6;
	s18 =	sadd.s32 $0x80, s18  }
0x46: {  	s21 =	sadd.s32 $0x4, s21;
	v4 =	vld [tilespmem:s18+$0x30];
	[tilespmem:s19+$0x1830 ss:$0x81] =	vst.msk $0xffff, v7  }
.Ltmp4:
0x47: {  	_ = 	snop;
	(pc) =	sbr.rel .LBB1_4-.Ltmp4, $1  }
0x48: {  	_ =	sdelay $0x3  }
.LBB1_6:
0x49: {  	_ =	sfence.sel $0x180000  }
0x4a: {  	s1 =	simm.s32 $0x1;
	[bflag:$0x0] =	sbarrier.arrive $0xFFFF  }
0x4b: {  	s31 =	simm.s32 $0x2;
	[sflag:s1] =	ssyncpa.u1 $0x1  }
0x4c: {  	[sflag:s31] =	ssyncpa.u1 $0x1  }
0x4d: {  	p0 =	sne.s32 s3, $0x0;
	_ =	strace $0x90000047  }
0x4e: {  	s0 =	sadd.s32 @!p0 $0x100000, s0;
	[bflag:$0x2] =	sbarrier.arrive $0xFFFF  }
0x4f: {  	[sflag:s0] =	ssyncadd.tile.s32 @!p0 $0x1;
	_ =	shalt  }
.Lfunc_end1:
_tile_overlayer_lowered:
.L_overlay_start_2:
0x50: {  	(tag) =	ssettag $0x2  }
0x51: {  	s0 =	rddreg [dreg:$0x0];
	s2 =	stileid.u32  }
0x52: {  	s1 =	rddreg [dreg:$0x1];
	p0 =	sne.s32 s2, $0x0  }
0x53: {  	s3 =	rddreg [dreg:$0x2];
	[bflag:$0x3] =	sbarrier.arrive $0xFFFF;
	s2 =	simm.s32 @!p0 $0x1C01  }
0x54: {  	[timem:s3], [sflag:s2] =	dma.local @!p0 [hbm:s0], s1  }
0x55: {  	s0 =	simm.s32 @!p0 $0x1  }
0x56: {  	_ =	swait.ge @!p0 [sflag:s0], s1  }
0x57: {  	s1 =	ssub.s32 @!p0 $0x0, s1;
	[sflag:s0] =	ssyncset.done @!p0 $0x0  }
0x58: {  	[sflag:s0] =	ssyncadd.s32 @!p0 s1  }
0x59: {  	[bflag:$0x3] =	sbarrier.arrive $0xFFFF  }
0x5a: {  	_ =	shalt  }

</sc_bundles>
